<compile_context>
chip_gen: v7x
topology: tpu7x:2x2x1
jax: 0.10.2.dev20260603
libtpu: 0.0.44.dev20260713+nightly
codegen_flags: <defaults>
</compile_context>

<pallas_src>
import functools

import jax
import jax.numpy as jnp
from jax import lax
from jax.experimental import pallas as pl
from jax.experimental.pallas import tpu as pltpu
from jax.experimental.pallas import tpu_sc as plsc

K = 64
CHUNK = 128


def _encode_body(x_ref, we_ref, benc_ref, bdec_ref, slab_ref, slab4_ref,
                 bm_ref, *, TB, FB):
    t = pl.program_id(1)
    xb = x_ref[pl.ds(t * TB, TB), :] - bdec_ref[...]
    pre = lax.dot_general(xb, we_ref[...], (((1,), (1,)), ((), ())),
                          preferred_element_type=jnp.float32)
    act = jnp.maximum(pre + benc_ref[...], 0.0)
    slab_ref[...] = act
    for ci in range(FB // CHUNK):
        slab4_ref[:, ci] = act[:, ci * CHUNK:(ci + 1) * CHUNK].reshape(
            TB // 8, 8, CHUNK)
    bm_ref[0] = jnp.max(act.reshape(TB, FB // CHUNK, CHUNK), axis=2)


def _extract_body(bm_ref, cids_ref, m_ref, bmw):
    R, C = bm_ref.shape
    bmw[...] = bm_ref[...]
    lane = lax.broadcasted_iota(jnp.int32, (R, C), 1)
    col = lax.broadcasted_iota(jnp.int32, (R, K), 1)
    cids_ref[...] = jnp.zeros((R, K), jnp.int32)

    def step(i, _):
        b = bmw[...]
        g = jnp.max(b, axis=1, keepdims=True)
        eq = b == g
        cid = jnp.min(jnp.where(eq, lane, jnp.int32(100000)), axis=1,
                      keepdims=True)
        bmw[...] = jnp.where(lane == cid, -1.0, b)
        cids_ref[...] = jnp.where(col == i, cid, cids_ref[...])
        m_ref[...] = g
        return 0

    lax.fori_loop(0, K, step, 0)


def _sc_select_body(slab2, cids, thr, cidbuf, idxbuf, chunks2,
                    cand, thrbuf, sem, *, RPW, NCH):
    c = lax.axis_index("c")
    s = lax.axis_index("s")
    wid = s * 2 + c
    base = wid * RPW
    lanes = lax.iota(jnp.int32, 16)
    tiny = jnp.float32(1e-37)

    pltpu.sync_copy(cids.at[pl.ds(base * K, RPW * K)], cidbuf)

    def start_gather(row_i, buf):
        r = base + row_i
        roff = (r // 8) * (NCH * 8) + (r % 8)

        def mk(k, _):
            idxbuf[pl.ds(k * 16, 16)] = (
                cidbuf[pl.ds(row_i * K + k * 16, 16)] * 8 + roff)
            return 0

        lax.fori_loop(0, K // 16, mk, 0)
        return pltpu.async_copy(slab2.at[idxbuf], chunks2.at[buf], sem)

    start_gather(0, jnp.int32(0)).wait()

    def row_body(i, thrvec):
        buf = i % 2
        h = start_gather(jnp.minimum(i + 1, RPW - 1), (i + 1) % 2)

        def mmax(l, mv):
            a, b = mv
            a = jnp.maximum(a, chunks2[buf, K - 1, pl.ds(l * 16, 16)])
            b = jnp.maximum(b, chunks2[buf, 0, pl.ds(l * 16, 16)])
            return a, b

        mred, xred = lax.fori_loop(
            0, CHUNK // 16, mmax,
            (jnp.zeros((16,), jnp.float32), jnp.zeros((16,), jnp.float32)))
        mvec = jnp.maximum(jnp.full((16,), jnp.max(mred)), tiny)
        xvec = jnp.full((16,), jnp.max(xred))

        def fil_d(d, offv):
            vs, msks, css = [], [], []
            for l in range(CHUNK // 16):
                v = chunks2[buf, d, pl.ds(l * 16, 16)]
                msk = v >= mvec
                vs.append(v)
                msks.append(msk)
                css.append(plsc.cumsum(msk.astype(jnp.int32)))
            for l in range(CHUNK // 16):
                plsc.store_scatter(cand, [offv + css[l] - 1], vs[l],
                                   mask=msks[l])
                offv = offv + plsc.all_reduce_population_count(msks[l])
            return offv

        offv = lax.fori_loop(0, K, fil_d, jnp.zeros((16,), jnp.int32))
        off = jnp.sum(offv) // 16
        for z in range(4):
            cand[pl.ds(off + z * 16, 16)] = jnp.zeros((16,), jnp.float32)
        ngrp = (off + 63) // 64

        lo0 = plsc.bitcast(mvec, jnp.int32)
        hi0 = jnp.maximum(plsc.bitcast(xvec, jnp.int32) + 1, lo0 + 1)

        def bs(it, lohi):
            lo, hi = lohi
            mid = lo + lax.shift_right_logical(hi - lo, 1)

            def cnt(g, acc):
                for u in range(4):
                    vi = plsc.bitcast(cand[pl.ds(g * 64 + u * 16, 16)],
                                      jnp.int32)
                    acc = acc + plsc.all_reduce_population_count(vi >= mid)
                return acc

            cn = lax.fori_loop(0, ngrp, cnt, jnp.zeros((16,), jnp.int32))
            big = cn >= K
            return jnp.where(big, mid, lo), jnp.where(big, hi, mid)

        lo, _ = lax.fori_loop(0, 31, bs, (lo0, hi0))
        ti = jnp.maximum(plsc.bitcast(lo, jnp.float32), tiny)
        thrvec = jnp.where(lanes == (i % 16), ti, thrvec)

        @pl.when(i % 16 == 15)
        def _():
            thrbuf[pl.ds((i // 16) * 16, 16)] = thrvec

        h.wait()
        return thrvec

    lax.fori_loop(0, RPW, row_body, jnp.zeros((16,), jnp.float32))
    pltpu.sync_copy(thrbuf, thr.at[pl.ds(base, RPW)])


def _decode_body(slab_ref, wdt_ref, thr_ref, bdec_ref, out_ref, *, TB, NF):
    f = pl.program_id(0)
    t = pl.program_id(1)
    sb = slab_ref[...]
    enc = jnp.where(sb >= thr_ref[...], sb, 0.0)
    part = lax.dot_general(enc.astype(jnp.bfloat16), wdt_ref[...],
                           (((1,), (0,)), ((), ())),
                           preferred_element_type=jnp.float32)

    @pl.when(f == 0)
    def _():
        out_ref[pl.ds(t * TB, TB), :] = part + bdec_ref[...]

    @pl.when(f > 0)
    def _():
        out_ref[pl.ds(t * TB, TB), :] = out_ref[pl.ds(t * TB, TB), :] + part


def _encode_half(xh, W_enc, b_enc2, b_dec2, *, TB, FB, D):
    Nh = xh.shape[0]
    F = W_enc.shape[0]
    NF = F // FB
    NT = Nh // TB
    NCH = F // CHUNK
    slab, slab4, bm3 = pl.pallas_call(
        functools.partial(_encode_body, TB=TB, FB=FB),
        grid=(NF, NT),
        in_specs=[
            pl.BlockSpec((Nh, D), lambda f, t: (0, 0)),
            pl.BlockSpec((FB, D), lambda f, t: (f, 0)),
            pl.BlockSpec((1, FB), lambda f, t: (0, f)),
            pl.BlockSpec((1, D), lambda f, t: (0, 0)),
        ],
        out_specs=[
            pl.BlockSpec((TB, FB), lambda f, t: (t, f)),
            pl.BlockSpec((TB // 8, FB // CHUNK, 8, CHUNK),
                         lambda f, t: (t, f, 0, 0)),
            pl.BlockSpec((1, TB, FB // CHUNK), lambda f, t: (f, t, 0)),
        ],
        out_shape=[
            jax.ShapeDtypeStruct((Nh, F), jnp.float32),
            jax.ShapeDtypeStruct((Nh // 8, NCH, 8, CHUNK), jnp.float32),
            jax.ShapeDtypeStruct((NF, Nh, FB // CHUNK), jnp.float32),
        ],
        compiler_params=pltpu.CompilerParams(
            dimension_semantics=("arbitrary", "arbitrary"),
        ),
    )(xh, W_enc, b_enc2, b_dec2)

    bm = bm3.transpose(1, 0, 2).reshape(Nh, NCH)
    cids, _ = pl.pallas_call(
        _extract_body,
        out_shape=[
            jax.ShapeDtypeStruct((Nh, K), jnp.int32),
            jax.ShapeDtypeStruct((Nh, 1), jnp.float32),
        ],
        scratch_shapes=[pltpu.VMEM((Nh, NCH), jnp.float32)],
    )(bm)
    return slab, slab4, cids


def _select_half(slab4, cids, *, NCH):
    Nh = cids.shape[0]
    RPW = Nh // 32
    mesh = plsc.VectorSubcoreMesh(core_axis_name="c", subcore_axis_name="s")
    return pl.kernel(
        functools.partial(_sc_select_body, RPW=RPW, NCH=NCH),
        mesh=mesh,
        compiler_params=pltpu.CompilerParams(needs_layout_passes=False),
        out_type=jax.ShapeDtypeStruct((Nh,), jnp.float32),
        scratch_types=[
            pltpu.VMEM((RPW * K,), jnp.int32),
            pltpu.VMEM((K,), jnp.int32),
            pltpu.VMEM((2, K, CHUNK), jnp.float32),
            pltpu.VMEM((K * CHUNK + 64,), jnp.float32),
            pltpu.VMEM((RPW,), jnp.float32),
            pltpu.SemaphoreType.DMA,
        ],
    )(slab4.reshape(Nh * NCH, CHUNK), cids.reshape(Nh * K))


def _decode_half(slab, W_dec_T, thr, b_dec2, *, TB, FB, D):
    Nh, F = slab.shape
    NF = F // FB
    NT = Nh // TB
    return pl.pallas_call(
        functools.partial(_decode_body, TB=TB, NF=NF),
        grid=(NF, NT),
        in_specs=[
            pl.BlockSpec((TB, FB), lambda f, t: (t, f)),
            pl.BlockSpec((FB, D), lambda f, t: (f, 0)),
            pl.BlockSpec((TB, 1), lambda f, t: (t, 0)),
            pl.BlockSpec((1, D), lambda f, t: (0, 0)),
        ],
        out_specs=pl.BlockSpec((Nh, D), lambda f, t: (0, 0)),
        out_shape=jax.ShapeDtypeStruct((Nh, D), jnp.float32),
        compiler_params=pltpu.CompilerParams(
            dimension_semantics=("arbitrary", "arbitrary"),
        ),
    )(slab, W_dec_T, thr.reshape(Nh, 1), b_dec2)


def kernel(x, W_enc, b_enc, W_dec, b_dec):
    N, D = x.shape
    F = W_enc.shape[0]
    TB = 256
    FB = 512
    NCH = F // CHUNK
    W_dec_T = W_dec.T
    b_enc2 = b_enc.reshape(1, F)
    b_dec2 = b_dec.reshape(1, D)

    H = N // 2
    W_dec_Tb = W_dec_T.astype(jnp.bfloat16)
    slab_a, slab4_a, cids_a = _encode_half(
        x[:H], W_enc, b_enc2, b_dec2, TB=TB, FB=FB, D=D)
    thr_a = _select_half(slab4_a, cids_a, NCH=NCH)
    slab_b, slab4_b, cids_b = _encode_half(
        x[H:], W_enc, b_enc2, b_dec2, TB=TB, FB=FB, D=D)
    thr_b = _select_half(slab4_b, cids_b, NCH=NCH)
    out_a = _decode_half(slab_a, W_dec_Tb, thr_a, b_dec2, TB=TB, FB=FB, D=D)
    out_b = _decode_half(slab_b, W_dec_Tb, thr_b, b_dec2, TB=TB, FB=FB, D=D)
    return jnp.concatenate([out_a, out_b], axis=0)

# --- scband reference (transcript-rebuilt; emitter-appended) ---
"""Pipeline reference for scband-auto-encoder-top-k-53446573031859 (READ-ONLY COPY).

The authoritative reference and input builder live on the scoring server;
editing this copy changes nothing except your own understanding.
"""

import jax, jax.numpy as jnp
import numpy as np

ACT_DIM = 768
DICT_SIZE = 24576
K = 64
N_TOKENS = 4096


def setup_inputs(seed: int = 0) -> dict:
    key = jax.random.key(seed)
    k1, k2 = jax.random.split(key, 2)
    x = jax.random.normal(k1, (N_TOKENS, ACT_DIM), dtype=jnp.float32)
    # encoder: nn.Linear(activation_dim, dict_size) -> weight [dict_size, activation_dim]
    W_enc = jax.random.normal(k2, (DICT_SIZE, ACT_DIM), dtype=jnp.float32) * (1.0 / np.sqrt(ACT_DIM))
    b_enc = jnp.zeros((DICT_SIZE,), dtype=jnp.float32)  # encoder.bias zeroed in __init__
    # decoder: nn.Linear(dict_size, activation_dim, bias=False) -> weight [activation_dim, dict_size]
    # initialized as encoder.weight.T then column-normalized (set_decoder_norm_to_unit_norm, dim=0)
    W_dec = W_enc.T
    eps = jnp.finfo(jnp.float32).eps
    norm = jnp.linalg.norm(W_dec, axis=0, keepdims=True)
    W_dec = W_dec / (norm + eps)
    b_dec = jnp.zeros((ACT_DIM,), dtype=jnp.float32)
    return {"x": x, "W_enc": W_enc, "b_enc": b_enc, "W_dec": W_dec, "b_dec": b_dec}


def reference(x, W_enc, b_enc, W_dec, b_dec):
    # encode
    preact_BF = (x - b_dec) @ W_enc.T + b_enc
    post_relu_BF = jax.nn.relu(preact_BF)
    top_vals_BK, top_idx_BK = jax.lax.top_k(post_relu_BF, K)
    buffer_BF = jnp.zeros_like(post_relu_BF)
    rows = jnp.arange(x.shape[0])[:, None]
    encoded_acts_BF = buffer_BF.at[rows, top_idx_BK].set(top_vals_BK)
    # decode
    x_hat_BD = encoded_acts_BF @ W_dec.T + b_dec
    return x_hat_BD

if __name__ == "__main__":
    import jax
    _d = setup_inputs()
    print(jax.jit(kernel)(*tuple(_d.values())))

</pallas_src>

<mosaic_0001>
#map = affine_map<(d0, d1) -> (0, 0)>
#map1 = affine_map<(d0, d1) -> (0)>
module attributes {stable_mosaic.version = 14 : i64} {
  func.func @_sc_select_body(%arg0: i32, %arg1: i32, %arg2: memref<393216x128xf32, #tpu.memory_space<hbm>>, %arg3: memref<131072xi32, #tpu.memory_space<hbm>>, %arg4: memref<2048xf32, #tpu.memory_space<hbm>>, %arg5: memref<4096xi32, #tpu.memory_space<vmem>>, %arg6: memref<64xi32, #tpu.memory_space<vmem>>, %arg7: memref<2x64x128xf32, #tpu.memory_space<vmem>>, %arg8: memref<8256xf32, #tpu.memory_space<vmem>>, %arg9: memref<64xf32, #tpu.memory_space<vmem>>, %arg10: memref<!tpu.dma_semaphore, #tpu.memory_space<semaphore_mem>>) attributes {dimension_semantics = [#tpu.dimension_semantics<core_parallel>, #tpu.dimension_semantics<subcore_parallel>], iteration_bounds = array<i64: 2, 16>, scalar_prefetch = 0 : i64, scratch_operands = 6 : i64, tpu.core_type = #tpu.core_type<sc_vector_subcore>, window_params = [{transform_indices = #map}, {transform_indices = #map1}, {transform_indices = #map1}]} {
    %mul3A = arith.constant 2 : i32
    %mul3A_0 = arith.muli %arg1, %mul3A : i32
    %add3A = arith.addi %mul3A_0, %arg0 : i32
    %mul3A_1 = arith.constant 64 : i32
    %mul3A_2 = arith.muli %add3A, %mul3A_1 : i32
    %iota3A = tpu.iota {dimensions = array<i32: 0>} : vector<16xi32>
    %mul3A_3 = arith.constant 64 : i32
    %mul3A_4 = arith.muli %mul3A_2, %mul3A_3 : i32
    "tpu.region"() ({
      %run_scoped3A = tpu.sem_alloc : memref<!tpu.dma_semaphore, #tpu.memory_space<semaphore_mem>>
      %dma_start3A_68 = tpu.memref_slice %arg3[%mul3A_4] : memref<131072xi32, #tpu.memory_space<hbm>> -> memref<4096xi32, #tpu.memory_space<hbm>>
      %dma_start3A_69 = tpu.memref_slice %arg3[%mul3A_4] : memref<131072xi32, #tpu.memory_space<hbm>> -> memref<4096xi32, #tpu.memory_space<hbm>>
      tpu.enqueue_dma source(%dma_start3A_69 : memref<4096xi32, #tpu.memory_space<hbm>>) target(%arg5 : memref<4096xi32, #tpu.memory_space<vmem>>) target_semaphore(%run_scoped3A : memref<!tpu.dma_semaphore, #tpu.memory_space<semaphore_mem>>)
      %dma_wait3A_70 = tpu.memref_slice %arg3[%mul3A_4] : memref<131072xi32, #tpu.memory_space<hbm>> -> memref<4096xi32, #tpu.memory_space<hbm>>
      %dma_wait3A_71 = tpu.memref_slice %arg3[%mul3A_4] : memref<131072xi32, #tpu.memory_space<hbm>> -> memref<4096xi32, #tpu.memory_space<hbm>>
      tpu.wait_dma2 semaphore(%run_scoped3A : memref<!tpu.dma_semaphore, #tpu.memory_space<semaphore_mem>>) src(%dma_wait3A_71 : memref<4096xi32, #tpu.memory_space<hbm>>) dst(%arg5 : memref<4096xi32, #tpu.memory_space<vmem>>)
      tpu.yield
    }) : () -> ()
    %add3A_5 = arith.constant 0 : i32
    %add3A_6 = arith.addi %mul3A_2, %add3A_5 : i32
    %jit3A = arith.constant 8 : i32
    %div3A = arith.divsi %add3A_6, %jit3A : i32
    %sign3A = arith.constant 0 : i32
    %sign3A_7 = arith.cmpi sgt, %add3A_6, %sign3A : i32
    %sign3A_8 = arith.extui %sign3A_7 : i1 to i32
    %sign3A_9 = arith.constant 0 : i32
    %sign3A_10 = arith.cmpi slt, %add3A_6, %sign3A_9 : i32
    %sign3A_11 = arith.extui %sign3A_10 : i1 to i32
    %sign3A_12 = arith.subi %sign3A_8, %sign3A_11 : i32
    %sign3A_13 = arith.constant 0 : i32
    %sign3A_14 = arith.cmpi sgt, %jit3A, %sign3A_13 : i32
    %sign3A_15 = arith.extui %sign3A_14 : i1 to i32
    %sign3A_16 = arith.constant 0 : i32
    %sign3A_17 = arith.cmpi slt, %jit3A, %sign3A_16 : i32
    %sign3A_18 = arith.extui %sign3A_17 : i1 to i32
    %sign3A_19 = arith.subi %sign3A_15, %sign3A_18 : i32
    %ne3A = arith.cmpi ne, %sign3A_12, %sign3A_19 : i32
    %rem3A = arith.remsi %add3A_6, %jit3A : i32
    %ne3A_20 = arith.constant 0 : i32
    %ne3A_21 = arith.cmpi ne, %rem3A, %ne3A_20 : i32
    %and3A = arith.andi %ne3A, %ne3A_21 : i1
    %sub3A = arith.constant 1 : i32
    %sub3A_22 = arith.subi %div3A, %sub3A : i32
    %select_n3A = arith.select %and3A, %sub3A_22, %div3A : i32
    %mul3A_23 = arith.constant 1536 : i32
    %mul3A_24 = arith.muli %select_n3A, %mul3A_23 : i32
    %jit3A_25 = arith.constant 8 : i32
    %eq3A = arith.constant 0 : i32
    %eq3A_26 = arith.cmpi eq, %jit3A_25, %eq3A : i32
    %jit3A_27 = arith.constant 1 : i32
    %select_n3A_28 = arith.select %eq3A_26, %jit3A_27, %jit3A_25 : i32
    %rem3A_29 = arith.remsi %add3A_6, %select_n3A_28 : i32
    %ne3A_30 = arith.constant 0 : i32
    %ne3A_31 = arith.cmpi ne, %rem3A_29, %ne3A_30 : i32
    %lt3A = arith.constant 0 : i32
    %lt3A_32 = arith.cmpi slt, %rem3A_29, %lt3A : i32
    %lt3A_33 = arith.constant 0 : i32
    %lt3A_34 = arith.cmpi slt, %select_n3A_28, %lt3A_33 : i32
    %ne3A_35 = arith.xori %lt3A_32, %lt3A_34 : i1
    %and3A_36 = arith.andi %ne3A_35, %ne3A_31 : i1
    %add3A_37 = arith.addi %rem3A_29, %select_n3A_28 : i32
    %select_n3A_38 = arith.select %and3A_36, %add3A_37, %rem3A_29 : i32
    %add3A_39 = arith.addi %mul3A_24, %select_n3A_38 : i32
    %scan3A = arith.constant 0 : i32
    %scan3A_40 = arith.constant 0 : i32
    %scan3A_41 = arith.constant 4 : i32
    %scan3A_42 = arith.addi %scan3A_40, %scan3A_41 : i32
    %scan3A_43 = arith.constant 1 : i32
    %scan3A_44 = scf.for %scan3A_68 = %scan3A_40 to %scan3A_42 step %scan3A_43 iter_args(%scan3A_69 = %scan3A) -> (i32)  : i32 {
      %mul3A_70 = arith.constant 16 : i32
      %mul3A_71 = arith.muli %scan3A_68, %mul3A_70 : i32
      %add3A_72 = arith.constant 0 : i32
      %add3A_73 = arith.addi %add3A_72, %mul3A_71 : i32
      %get3A = arith.index_cast %add3A_73 : i32 to index
      %get3A_74 = tpu.vector_load %arg5[%get3A] {strides = array<i32>} : memref<4096xi32, #tpu.memory_space<vmem>>, vector<16xi32>,
      %mul3A_75 = arith.constant 8 : i32
      %mul3A_76 = vector.broadcast %mul3A_75 : i32 to vector<16xi32>
      %mul3A_77 = arith.muli %get3A_74, %mul3A_76 : vector<16xi32>
      %add3A_78 = vector.broadcast %add3A_39 : i32 to vector<16xi32>
      %add3A_79 = arith.addi %mul3A_77, %add3A_78 : vector<16xi32>
      %mul3A_80 = arith.constant 16 : i32
      %mul3A_81 = arith.muli %scan3A_68, %mul3A_80 : i32
      %swap3A = arith.index_cast %mul3A_81 : i32 to index
      %swap3A_82 = tpu.vector_load %arg6[%swap3A] {strides = array<i32>} : memref<64xi32, #tpu.memory_space<vmem>>, vector<16xi32>,
      tpu.vector_store %arg6[%swap3A], %add3A_79 {strides = array<i32>} : memref<64xi32, #tpu.memory_space<vmem>>, vector<16xi32>,
      %scan3A_83 = arith.constant 0 : i32
      scf.yield %scan3A_83 : i32
    }
    %scan3A_45 = arith.constant 4 : i32
    %dma_start3A = arith.constant 0 : i32
    %dma_start3A_46 = arith.constant 0 : i32
    %dma_start3A_47 = arith.constant 0 : i32
    %dma_start3A_48 = tpu.memref_slice %arg7[%dma_start3A, %dma_start3A_46, %dma_start3A_47] : memref<2x64x128xf32, #tpu.memory_space<vmem>> -> memref<1x64x128xf32, #tpu.memory_space<vmem>>
    %dma_start3A_49 = tpu.memref_squeeze %dma_start3A_48 : memref<1x64x128xf32, #tpu.memory_space<vmem>> -> memref<64x128xf32, #tpu.memory_space<vmem>>
    %dma_start3A_50 = arith.constant 0 : i32
    %dma_start3A_51 = arith.constant 0 : i32
    %dma_start3A_52 = tpu.memref_slice %arg2[%dma_start3A_50, %dma_start3A_51] : memref<393216x128xf32, #tpu.memory_space<hbm>> -> memref<393216x128xf32, #tpu.memory_space<hbm>>
    tpu.enqueue_indirect_dma source(%dma_start3A_52 : memref<393216x128xf32, #tpu.memory_space<hbm>>) target(%dma_start3A_49 : memref<64x128xf32, #tpu.memory_space<vmem>>) offsets(%arg6 : memref<64xi32, #tpu.memory_space<vmem>>) semaphore(%arg10 : memref<!tpu.dma_semaphore, #tpu.memory_space<semaphore_mem>>)
    %dma_wait3A = arith.constant 0 : i32
    %dma_wait3A_53 = arith.constant 0 : i32
    %dma_wait3A_54 = arith.constant 0 : i32
    %dma_wait3A_55 = tpu.memref_slice %arg7[%dma_wait3A, %dma_wait3A_53, %dma_wait3A_54] : memref<2x64x128xf32, #tpu.memory_space<vmem>> -> memref<1x64x128xf32, #tpu.memory_space<vmem>>
    %dma_wait3A_56 = tpu.memref_squeeze %dma_wait3A_55 : memref<1x64x128xf32, #tpu.memory_space<vmem>> -> memref<64x128xf32, #tpu.memory_space<vmem>>
    %dma_wait3A_57 = arith.constant 0 : i32
    %dma_wait3A_58 = arith.constant 0 : i32
    %dma_wait3A_59 = tpu.memref_slice %arg2[%dma_wait3A_57, %dma_wait3A_58] : memref<393216x128xf32, #tpu.memory_space<hbm>> -> memref<393216x128xf32, #tpu.memory_space<hbm>>
    tpu.wait_indirect_dma semaphore(%arg10 : memref<!tpu.dma_semaphore, #tpu.memory_space<semaphore_mem>>) src(%dma_wait3A_59 : memref<393216x128xf32, #tpu.memory_space<hbm>>) dst(%dma_wait3A_56 : memref<64x128xf32, #tpu.memory_space<vmem>>)
    %broadcast_in_dim3A = arith.constant 0.000000e+00 : f32
    %broadcast_in_dim3A_60 = vector.broadcast %broadcast_in_dim3A : f32 to vector<16xf32>
    %scan3A_61 = arith.constant 9.99999991E-38 : f32
    %scan3A_62 = arith.constant 0 : i32
    %scan3A_63 = arith.constant 64 : i32
    %scan3A_64 = arith.addi %scan3A_62, %scan3A_63 : i32
    %scan3A_65 = arith.constant 1 : i32
    %scan3A_66 = scf.for %scan3A_68 = %scan3A_62 to %scan3A_64 step %scan3A_65 iter_args(%scan3A_69 = %broadcast_in_dim3A_60) -> (vector<16xf32>)  : i32 {
      %jit3A_70 = arith.constant 2 : i32
      %eq3A_71 = arith.constant 0 : i32
      %eq3A_72 = arith.cmpi eq, %jit3A_70, %eq3A_71 : i32
      %jit3A_73 = arith.constant 1 : i32
      %select_n3A_74 = arith.select %eq3A_72, %jit3A_73, %jit3A_70 : i32
      %rem3A_75 = arith.remsi %scan3A_68, %select_n3A_74 : i32
      %ne3A_76 = arith.constant 0 : i32
      %ne3A_77 = arith.cmpi ne, %rem3A_75, %ne3A_76 : i32
      %lt3A_78 = arith.constant 0 : i32
      %lt3A_79 = arith.cmpi slt, %rem3A_75, %lt3A_78 : i32
      %lt3A_80 = arith.constant 0 : i32
      %lt3A_81 = arith.cmpi slt, %select_n3A_74, %lt3A_80 : i32
      %ne3A_82 = arith.xori %lt3A_79, %lt3A_81 : i1
      %and3A_83 = arith.andi %ne3A_82, %ne3A_77 : i1
      %add3A_84 = arith.addi %rem3A_75, %select_n3A_74 : i32
      %select_n3A_85 = arith.select %and3A_83, %add3A_84, %rem3A_75 : i32
      %add3A_86 = arith.constant 1 : i32
      %add3A_87 = arith.addi %scan3A_68, %add3A_86 : i32
      %min3A = arith.constant 63 : i32
      %min3A_88 = arith.minsi %add3A_87, %min3A : i32
      %add3A_89 = arith.constant 1 : i32
      %add3A_90 = arith.addi %scan3A_68, %add3A_89 : i32
      %jit3A_91 = arith.constant 2 : i32
      %eq3A_92 = arith.constant 0 : i32
      %eq3A_93 = arith.cmpi eq, %jit3A_91, %eq3A_92 : i32
      %jit3A_94 = arith.constant 1 : i32
      %select_n3A_95 = arith.select %eq3A_93, %jit3A_94, %jit3A_91 : i32
      %rem3A_96 = arith.remsi %add3A_90, %select_n3A_95 : i32
      %ne3A_97 = arith.constant 0 : i32
      %ne3A_98 = arith.cmpi ne, %rem3A_96, %ne3A_97 : i32
      %lt3A_99 = arith.constant 0 : i32
      %lt3A_100 = arith.cmpi slt, %rem3A_96, %lt3A_99 : i32
      %lt3A_101 = arith.constant 0 : i32
      %lt3A_102 = arith.cmpi slt, %select_n3A_95, %lt3A_101 : i32
      %ne3A_103 = arith.xori %lt3A_100, %lt3A_102 : i1
      %and3A_104 = arith.andi %ne3A_103, %ne3A_98 : i1
      %add3A_105 = arith.addi %rem3A_96, %select_n3A_95 : i32
      %select_n3A_106 = arith.select %and3A_104, %add3A_105, %rem3A_96 : i32
      %add3A_107 = arith.addi %mul3A_2, %min3A_88 : i32
      %jit3A_108 = arith.constant 8 : i32
      %div3A_109 = arith.divsi %add3A_107, %jit3A_108 : i32
      %sign3A_110 = arith.constant 0 : i32
      %sign3A_111 = arith.cmpi sgt, %add3A_107, %sign3A_110 : i32
      %sign3A_112 = arith.extui %sign3A_111 : i1 to i32
      %sign3A_113 = arith.constant 0 : i32
      %sign3A_114 = arith.cmpi slt, %add3A_107, %sign3A_113 : i32
      %sign3A_115 = arith.extui %sign3A_114 : i1 to i32
      %sign3A_116 = arith.subi %sign3A_112, %sign3A_115 : i32
      %sign3A_117 = arith.constant 0 : i32
      %sign3A_118 = arith.cmpi sgt, %jit3A_108, %sign3A_117 : i32
      %sign3A_119 = arith.extui %sign3A_118 : i1 to i32
      %sign3A_120 = arith.constant 0 : i32
      %sign3A_121 = arith.cmpi slt, %jit3A_108, %sign3A_120 : i32
      %sign3A_122 = arith.extui %sign3A_121 : i1 to i32
      %sign3A_123 = arith.subi %sign3A_119, %sign3A_122 : i32
      %ne3A_124 = arith.cmpi ne, %sign3A_116, %sign3A_123 : i32
      %rem3A_125 = arith.remsi %add3A_107, %jit3A_108 : i32
      %ne3A_126 = arith.constant 0 : i32
      %ne3A_127 = arith.cmpi ne, %rem3A_125, %ne3A_126 : i32
      %and3A_128 = arith.andi %ne3A_124, %ne3A_127 : i1
      %sub3A_129 = arith.constant 1 : i32
      %sub3A_130 = arith.subi %div3A_109, %sub3A_129 : i32
      %select_n3A_131 = arith.select %and3A_128, %sub3A_130, %div3A_109 : i32
      %mul3A_132 = arith.constant 1536 : i32
      %mul3A_133 = arith.muli %select_n3A_131, %mul3A_132 : i32
      %jit3A_134 = arith.constant 8 : i32
      %eq3A_135 = arith.constant 0 : i32
      %eq3A_136 = arith.cmpi eq, %jit3A_134, %eq3A_135 : i32
      %jit3A_137 = arith.constant 1 : i32
      %select_n3A_138 = arith.select %eq3A_136, %jit3A_137, %jit3A_134 : i32
      %rem3A_139 = arith.remsi %add3A_107, %select_n3A_138 : i32
      %ne3A_140 = arith.constant 0 : i32
      %ne3A_141 = arith.cmpi ne, %rem3A_139, %ne3A_140 : i32
      %lt3A_142 = arith.constant 0 : i32
      %lt3A_143 = arith.cmpi slt, %rem3A_139, %lt3A_142 : i32
      %lt3A_144 = arith.constant 0 : i32
      %lt3A_145 = arith.cmpi slt, %select_n3A_138, %lt3A_144 : i32
      %ne3A_146 = arith.xori %lt3A_143, %lt3A_145 : i1
      %and3A_147 = arith.andi %ne3A_146, %ne3A_141 : i1
      %add3A_148 = arith.addi %rem3A_139, %select_n3A_138 : i32
      %select_n3A_149 = arith.select %and3A_147, %add3A_148, %rem3A_139 : i32
      %add3A_150 = arith.addi %mul3A_133, %select_n3A_149 : i32
      %scan3A_151 = arith.constant 0 : i32
      %scan3A_152 = arith.constant 0 : i32
      %scan3A_153 = arith.constant 4 : i32
      %scan3A_154 = arith.addi %scan3A_152, %scan3A_153 : i32
      %scan3A_155 = arith.constant 1 : i32
      %scan3A_156 = scf.for %scan3A_331 = %scan3A_152 to %scan3A_154 step %scan3A_155 iter_args(%scan3A_332 = %scan3A_151) -> (i32)  : i32 {
        %mul3A_333 = arith.constant 64 : i32
        %mul3A_334 = arith.muli %min3A_88, %mul3A_333 : i32
        %mul3A_335 = arith.constant 16 : i32
        %mul3A_336 = arith.muli %scan3A_331, %mul3A_335 : i32
        %add3A_337 = arith.addi %mul3A_334, %mul3A_336 : i32
        %get3A = arith.index_cast %add3A_337 : i32 to index
        %get3A_338 = tpu.vector_load %arg5[%get3A] {strides = array<i32>} : memref<4096xi32, #tpu.memory_space<vmem>>, vector<16xi32>,
        %mul3A_339 = arith.constant 8 : i32
        %mul3A_340 = vector.broadcast %mul3A_339 : i32 to vector<16xi32>
        %mul3A_341 = arith.muli %get3A_338, %mul3A_340 : vector<16xi32>
        %add3A_342 = vector.broadcast %add3A_150 : i32 to vector<16xi32>
        %add3A_343 = arith.addi %mul3A_341, %add3A_342 : vector<16xi32>
        %mul3A_344 = arith.constant 16 : i32
        %mul3A_345 = arith.muli %scan3A_331, %mul3A_344 : i32
        %swap3A_346 = arith.index_cast %mul3A_345 : i32 to index
        %swap3A_347 = tpu.vector_load %arg6[%swap3A_346] {strides = array<i32>} : memref<64xi32, #tpu.memory_space<vmem>>, vector<16xi32>,
        tpu.vector_store %arg6[%swap3A_346], %add3A_343 {strides = array<i32>} : memref<64xi32, #tpu.memory_space<vmem>>, vector<16xi32>,
        %scan3A_348 = arith.constant 0 : i32
        scf.yield %scan3A_348 : i32
      }
      %scan3A_157 = arith.constant 4 : i32
      %dma_start3A_158 = arith.constant 0 : i32
      %dma_start3A_159 = arith.constant 0 : i32
      %dma_start3A_160 = tpu.memref_slice %arg7[%select_n3A_106, %dma_start3A_158, %dma_start3A_159] : memref<2x64x128xf32, #tpu.memory_space<vmem>> -> memref<1x64x128xf32, #tpu.memory_space<vmem>>
      %dma_start3A_161 = tpu.memref_squeeze %dma_start3A_160 : memref<1x64x128xf32, #tpu.memory_space<vmem>> -> memref<64x128xf32, #tpu.memory_space<vmem>>
      %dma_start3A_162 = arith.constant 0 : i32
      %dma_start3A_163 = arith.constant 0 : i32
      %dma_start3A_164 = tpu.memref_slice %arg2[%dma_start3A_162, %dma_start3A_163] : memref<393216x128xf32, #tpu.memory_space<hbm>> -> memref<393216x128xf32, #tpu.memory_space<hbm>>
      tpu.enqueue_indirect_dma source(%dma_start3A_164 : memref<393216x128xf32, #tpu.memory_space<hbm>>) target(%dma_start3A_161 : memref<64x128xf32, #tpu.memory_space<vmem>>) offsets(%arg6 : memref<64xi32, #tpu.memory_space<vmem>>) semaphore(%arg10 : memref<!tpu.dma_semaphore, #tpu.memory_space<semaphore_mem>>)
      %broadcast_in_dim3A_165 = arith.constant 0.000000e+00 : f32
      %broadcast_in_dim3A_166 = vector.broadcast %broadcast_in_dim3A_165 : f32 to vector<16xf32>
      %broadcast_in_dim3A_167 = arith.constant 0.000000e+00 : f32
      %broadcast_in_dim3A_168 = vector.broadcast %broadcast_in_dim3A_167 : f32 to vector<16xf32>
      %scan3A_169 = arith.constant 0 : i32
      %scan3A_170 = arith.constant 8 : i32
      %scan3A_171 = arith.addi %scan3A_169, %scan3A_170 : i32
      %scan3A_172 = arith.constant 1 : i32
      %scan3A_173:2 = scf.for %scan3A_331 = %scan3A_169 to %scan3A_171 step %scan3A_172 iter_args(%scan3A_332 = %broadcast_in_dim3A_166, %scan3A_333 = %broadcast_in_dim3A_168) -> (vector<16xf32>, vector<16xf32>)  : i32 {
        %mul3A_334 = arith.constant 16 : i32
        %mul3A_335 = arith.muli %scan3A_331, %mul3A_334 : i32
        %get3A = arith.constant 63 : i32
        %get3A_336 = arith.index_cast %select_n3A_85 : i32 to index
        %get3A_337 = arith.index_cast %get3A : i32 to index
        %get3A_338 = arith.index_cast %mul3A_335 : i32 to index
        %get3A_339 = tpu.vector_load %arg7[%get3A_336, %get3A_337, %get3A_338] {strides = array<i32>} : memref<2x64x128xf32, #tpu.memory_space<vmem>>, vector<16xf32>,
        %max3A_340 = arith.maximumf %scan3A_332, %get3A_339 : vector<16xf32>
        %mul3A_341 = arith.constant 16 : i32
        %mul3A_342 = arith.muli %scan3A_331, %mul3A_341 : i32
        %get3A_343 = arith.constant 0 : i32
        %get3A_344 = arith.index_cast %select_n3A_85 : i32 to index
        %get3A_345 = arith.index_cast %get3A_343 : i32 to index
        %get3A_346 = arith.index_cast %mul3A_342 : i32 to index
        %get3A_347 = tpu.vector_load %arg7[%get3A_344, %get3A_345, %get3A_346] {strides = array<i32>} : memref<2x64x128xf32, #tpu.memory_space<vmem>>, vector<16xf32>,
        %max3A_348 = arith.maximumf %scan3A_333, %get3A_347 : vector<16xf32>
        scf.yield %max3A_340, %max3A_348 : vector<16xf32>, vector<16xf32>
      }
      %scan3A_174 = arith.constant 8 : i32
      %reduce_max3A = arith.constant true
      %reduce_max3A_175 = vector.broadcast %reduce_max3A : i1 to vector<16xi1>
      %reduce_max3A_176 = tpu.scan <max>, %scan3A_173#0 masked %reduce_max3A_175 : vector<16xf32>, vector<16xi1> -> vector<16xf32>
      %reduce_max3A_177 = vector.extract %reduce_max3A_176[15] : f32 from vector<16xf32>
      %broadcast_in_dim3A_178 = vector.broadcast %reduce_max3A_177 : f32 to vector<16xf32>
      %max3A = vector.broadcast %scan3A_61 : f32 to vector<16xf32>
      %max3A_179 = arith.maximumf %broadcast_in_dim3A_178, %max3A : vector<16xf32>
      %reduce_max3A_180 = arith.constant true
      %reduce_max3A_181 = vector.broadcast %reduce_max3A_180 : i1 to vector<16xi1>
      %reduce_max3A_182 = tpu.scan <max>, %scan3A_173#1 masked %reduce_max3A_181 : vector<16xf32>, vector<16xi1> -> vector<16xf32>
      %reduce_max3A_183 = vector.extract %reduce_max3A_182[15] : f32 from vector<16xf32>
      %broadcast_in_dim3A_184 = vector.broadcast %reduce_max3A_183 : f32 to vector<16xf32>
      %broadcast_in_dim3A_185 = arith.constant 0 : i32
      %broadcast_in_dim3A_186 = vector.broadcast %broadcast_in_dim3A_185 : i32 to vector<16xi32>
      %scan3A_187 = arith.constant 0 : i32
      %scan3A_188 = arith.constant 64 : i32
      %scan3A_189 = arith.addi %scan3A_187, %scan3A_188 : i32
      %scan3A_190 = arith.constant 1 : i32
      %scan3A_191 = scf.for %scan3A_331 = %scan3A_187 to %scan3A_189 step %scan3A_190 iter_args(%scan3A_332 = %broadcast_in_dim3A_186) -> (vector<16xi32>)  : i32 {
        %get3A = arith.index_cast %select_n3A_85 : i32 to index
        %get3A_333 = arith.index_cast %scan3A_331 : i32 to index
        %get3A_334 = arith.constant 0 : index
        %get3A_335 = tpu.vector_load %arg7[%get3A, %get3A_333, %get3A_334] {strides = array<i32>} : memref<2x64x128xf32, #tpu.memory_space<vmem>>, vector<16xf32>,
        %ge3A = arith.cmpf oge, %get3A_335, %max3A_179 : vector<16xf32>
        %convert_element_type3A_336 = arith.extui %ge3A : vector<16xi1> to vector<16xi32>
        %broadcast_in_dim3A_337 = arith.constant true
        %broadcast_in_dim3A_338 = vector.broadcast %broadcast_in_dim3A_337 : i1 to vector<16xi1>
        %masked_cumsum3A = tpu.scan <sum>, %convert_element_type3A_336 masked %broadcast_in_dim3A_338 : vector<16xi32>, vector<16xi1> -> vector<16xi32>
        %get3A_339 = arith.index_cast %select_n3A_85 : i32 to index
        %get3A_340 = arith.index_cast %scan3A_331 : i32 to index
        %get3A_341 = arith.constant 16 : index
        %get3A_342 = tpu.vector_load %arg7[%get3A_339, %get3A_340, %get3A_341] {strides = array<i32>} : memref<2x64x128xf32, #tpu.memory_space<vmem>>, vector<16xf32>,
        %ge3A_343 = arith.cmpf oge, %get3A_342, %max3A_179 : vector<16xf32>
        %convert_element_type3A_344 = arith.extui %ge3A_343 : vector<16xi1> to vector<16xi32>
        %broadcast_in_dim3A_345 = arith.constant true
        %broadcast_in_dim3A_346 = vector.broadcast %broadcast_in_dim3A_345 : i1 to vector<16xi1>
        %masked_cumsum3A_347 = tpu.scan <sum>, %convert_element_type3A_344 masked %broadcast_in_dim3A_346 : vector<16xi32>, vector<16xi1> -> vector<16xi32>
        %get3A_348 = arith.index_cast %select_n3A_85 : i32 to index
        %get3A_349 = arith.index_cast %scan3A_331 : i32 to index
        %get3A_350 = arith.constant 32 : index
        %get3A_351 = tpu.vector_load %arg7[%get3A_348, %get3A_349, %get3A_350] {strides = array<i32>} : memref<2x64x128xf32, #tpu.memory_space<vmem>>, vector<16xf32>,
        %ge3A_352 = arith.cmpf oge, %get3A_351, %max3A_179 : vector<16xf32>
        %convert_element_type3A_353 = arith.extui %ge3A_352 : vector<16xi1> to vector<16xi32>
        %broadcast_in_dim3A_354 = arith.constant true
        %broadcast_in_dim3A_355 = vector.broadcast %broadcast_in_dim3A_354 : i1 to vector<16xi1>
        %masked_cumsum3A_356 = tpu.scan <sum>, %convert_element_type3A_353 masked %broadcast_in_dim3A_355 : vector<16xi32>, vector<16xi1> -> vector<16xi32>
        %get3A_357 = arith.index_cast %select_n3A_85 : i32 to index
        %get3A_358 = arith.index_cast %scan3A_331 : i32 to index
        %get3A_359 = arith.constant 48 : index
        %get3A_360 = tpu.vector_load %arg7[%get3A_357, %get3A_358, %get3A_359] {strides = array<i32>} : memref<2x64x128xf32, #tpu.memory_space<vmem>>, vector<16xf32>,
        %ge3A_361 = arith.cmpf oge, %get3A_360, %max3A_179 : vector<16xf32>
        %convert_element_type3A_362 = arith.extui %ge3A_361 : vector<16xi1> to vector<16xi32>
        %broadcast_in_dim3A_363 = arith.constant true
        %broadcast_in_dim3A_364 = vector.broadcast %broadcast_in_dim3A_363 : i1 to vector<16xi1>
        %masked_cumsum3A_365 = tpu.scan <sum>, %convert_element_type3A_362 masked %broadcast_in_dim3A_364 : vector<16xi32>, vector<16xi1> -> vector<16xi32>
        %get3A_366 = arith.index_cast %select_n3A_85 : i32 to index
        %get3A_367 = arith.index_cast %scan3A_331 : i32 to index
        %get3A_368 = arith.constant 64 : index
        %get3A_369 = tpu.vector_load %arg7[%get3A_366, %get3A_367, %get3A_368] {strides = array<i32>} : memref<2x64x128xf32, #tpu.memory_space<vmem>>, vector<16xf32>,
        %ge3A_370 = arith.cmpf oge, %get3A_369, %max3A_179 : vector<16xf32>
        %convert_element_type3A_371 = arith.extui %ge3A_370 : vector<16xi1> to vector<16xi32>
        %broadcast_in_dim3A_372 = arith.constant true
        %broadcast_in_dim3A_373 = vector.broadcast %broadcast_in_dim3A_372 : i1 to vector<16xi1>
        %masked_cumsum3A_374 = tpu.scan <sum>, %convert_element_type3A_371 masked %broadcast_in_dim3A_373 : vector<16xi32>, vector<16xi1> -> vector<16xi32>
        %get3A_375 = arith.index_cast %select_n3A_85 : i32 to index
        %get3A_376 = arith.index_cast %scan3A_331 : i32 to index
        %get3A_377 = arith.constant 80 : index
        %get3A_378 = tpu.vector_load %arg7[%get3A_375, %get3A_376, %get3A_377] {strides = array<i32>} : memref<2x64x128xf32, #tpu.memory_space<vmem>>, vector<16xf32>,
        %ge3A_379 = arith.cmpf oge, %get3A_378, %max3A_179 : vector<16xf32>
        %convert_element_type3A_380 = arith.extui %ge3A_379 : vector<16xi1> to vector<16xi32>
        %broadcast_in_dim3A_381 = arith.constant true
        %broadcast_in_dim3A_382 = vector.broadcast %broadcast_in_dim3A_381 : i1 to vector<16xi1>
        %masked_cumsum3A_383 = tpu.scan <sum>, %convert_element_type3A_380 masked %broadcast_in_dim3A_382 : vector<16xi32>, vector<16xi1> -> vector<16xi32>
        %get3A_384 = arith.index_cast %select_n3A_85 : i32 to index
        %get3A_385 = arith.index_cast %scan3A_331 : i32 to index
        %get3A_386 = arith.constant 96 : index
        %get3A_387 = tpu.vector_load %arg7[%get3A_384, %get3A_385, %get3A_386] {strides = array<i32>} : memref<2x64x128xf32, #tpu.memory_space<vmem>>, vector<16xf32>,
        %ge3A_388 = arith.cmpf oge, %get3A_387, %max3A_179 : vector<16xf32>
        %convert_element_type3A_389 = arith.extui %ge3A_388 : vector<16xi1> to vector<16xi32>
        %broadcast_in_dim3A_390 = arith.constant true
        %broadcast_in_dim3A_391 = vector.broadcast %broadcast_in_dim3A_390 : i1 to vector<16xi1>
        %masked_cumsum3A_392 = tpu.scan <sum>, %convert_element_type3A_389 masked %broadcast_in_dim3A_391 : vector<16xi32>, vector<16xi1> -> vector<16xi32>
        %get3A_393 = arith.index_cast %select_n3A_85 : i32 to index
        %get3A_394 = arith.index_cast %scan3A_331 : i32 to index
        %get3A_395 = arith.constant 112 : index
        %get3A_396 = tpu.vector_load %arg7[%get3A_393, %get3A_394, %get3A_395] {strides = array<i32>} : memref<2x64x128xf32, #tpu.memory_space<vmem>>, vector<16xf32>,
        %ge3A_397 = arith.cmpf oge, %get3A_396, %max3A_179 : vector<16xf32>
        %convert_element_type3A_398 = arith.extui %ge3A_397 : vector<16xi1> to vector<16xi32>
        %broadcast_in_dim3A_399 = arith.constant true
        %broadcast_in_dim3A_400 = vector.broadcast %broadcast_in_dim3A_399 : i1 to vector<16xi1>
        %masked_cumsum3A_401 = tpu.scan <sum>, %convert_element_type3A_398 masked %broadcast_in_dim3A_400 : vector<16xi32>, vector<16xi1> -> vector<16xi32>
        %add3A_402 = arith.addi %scan3A_332, %masked_cumsum3A : vector<16xi32>
        %sub3A_403 = arith.constant 1 : i32
        %sub3A_404 = vector.broadcast %sub3A_403 : i32 to vector<16xi32>
        %sub3A_405 = arith.subi %add3A_402, %sub3A_404 : vector<16xi32>
        tpu.vector_store_idx %arg8[%sub3A_405], %get3A_335 masked %ge3A : memref<8256xf32, #tpu.memory_space<vmem>>[vector<16xi32>], vector<16xf32>, vector<16xi1>
        %all_reduce_population_count3A = tpu.all_reduce %ge3A {dim = 0 : i64, kind = #tpu.reduction_kind<sum>} : vector<16xi1> -> vector<16xi32>
        %add3A_406 = arith.addi %scan3A_332, %all_reduce_population_count3A : vector<16xi32>
        %add3A_407 = arith.addi %add3A_406, %masked_cumsum3A_347 : vector<16xi32>
        %sub3A_408 = arith.constant 1 : i32
        %sub3A_409 = vector.broadcast %sub3A_408 : i32 to vector<16xi32>
        %sub3A_410 = arith.subi %add3A_407, %sub3A_409 : vector<16xi32>
        tpu.vector_store_idx %arg8[%sub3A_410], %get3A_342 masked %ge3A_343 : memref<8256xf32, #tpu.memory_space<vmem>>[vector<16xi32>], vector<16xf32>, vector<16xi1>
        %all_reduce_population_count3A_411 = tpu.all_reduce %ge3A_343 {dim = 0 : i64, kind = #tpu.reduction_kind<sum>} : vector<16xi1> -> vector<16xi32>
        %add3A_412 = arith.addi %add3A_406, %all_reduce_population_count3A_411 : vector<16xi32>
        %add3A_413 = arith.addi %add3A_412, %masked_cumsum3A_356 : vector<16xi32>
        %sub3A_414 = arith.constant 1 : i32
        %sub3A_415 = vector.broadcast %sub3A_414 : i32 to vector<16xi32>
        %sub3A_416 = arith.subi %add3A_413, %sub3A_415 : vector<16xi32>
        tpu.vector_store_idx %arg8[%sub3A_416], %get3A_351 masked %ge3A_352 : memref<8256xf32, #tpu.memory_space<vmem>>[vector<16xi32>], vector<16xf32>, vector<16xi1>
        %all_reduce_population_count3A_417 = tpu.all_reduce %ge3A_352 {dim = 0 : i64, kind = #tpu.reduction_kind<sum>} : vector<16xi1> -> vector<16xi32>
        %add3A_418 = arith.addi %add3A_412, %all_reduce_population_count3A_417 : vector<16xi32>
        %add3A_419 = arith.addi %add3A_418, %masked_cumsum3A_365 : vector<16xi32>
        %sub3A_420 = arith.constant 1 : i32
        %sub3A_421 = vector.broadcast %sub3A_420 : i32 to vector<16xi32>
        %sub3A_422 = arith.subi %add3A_419, %sub3A_421 : vector<16xi32>
        tpu.vector_store_idx %arg8[%sub3A_422], %get3A_360 masked %ge3A_361 : memref<8256xf32, #tpu.memory_space<vmem>>[vector<16xi32>], vector<16xf32>, vector<16xi1>
        %all_reduce_population_count3A_423 = tpu.all_reduce %ge3A_361 {dim = 0 : i64, kind = #tpu.reduction_kind<sum>} : vector<16xi1> -> vector<16xi32>
        %add3A_424 = arith.addi %add3A_418, %all_reduce_population_count3A_423 : vector<16xi32>
        %add3A_425 = arith.addi %add3A_424, %masked_cumsum3A_374 : vector<16xi32>
        %sub3A_426 = arith.constant 1 : i32
        %sub3A_427 = vector.broadcast %sub3A_426 : i32 to vector<16xi32>
        %sub3A_428 = arith.subi %add3A_425, %sub3A_427 : vector<16xi32>
        tpu.vector_store_idx %arg8[%sub3A_428], %get3A_369 masked %ge3A_370 : memref<8256xf32, #tpu.memory_space<vmem>>[vector<16xi32>], vector<16xf32>, vector<16xi1>
        %all_reduce_population_count3A_429 = tpu.all_reduce %ge3A_370 {dim = 0 : i64, kind = #tpu.reduction_kind<sum>} : vector<16xi1> -> vector<16xi32>
        %add3A_430 = arith.addi %add3A_424, %all_reduce_population_count3A_429 : vector<16xi32>
        %add3A_431 = arith.addi %add3A_430, %masked_cumsum3A_383 : vector<16xi32>
        %sub3A_432 = arith.constant 1 : i32
        %sub3A_433 = vector.broadcast %sub3A_432 : i32 to vector<16xi32>
        %sub3A_434 = arith.subi %add3A_431, %sub3A_433 : vector<16xi32>
        tpu.vector_store_idx %arg8[%sub3A_434], %get3A_378 masked %ge3A_379 : memref<8256xf32, #tpu.memory_space<vmem>>[vector<16xi32>], vector<16xf32>, vector<16xi1>
        %all_reduce_population_count3A_435 = tpu.all_reduce %ge3A_379 {dim = 0 : i64, kind = #tpu.reduction_kind<sum>} : vector<16xi1> -> vector<16xi32>
        %add3A_436 = arith.addi %add3A_430, %all_reduce_population_count3A_435 : vector<16xi32>
        %add3A_437 = arith.addi %add3A_436, %masked_cumsum3A_392 : vector<16xi32>
        %sub3A_438 = arith.constant 1 : i32
        %sub3A_439 = vector.broadcast %sub3A_438 : i32 to vector<16xi32>
        %sub3A_440 = arith.subi %add3A_437, %sub3A_439 : vector<16xi32>
        tpu.vector_store_idx %arg8[%sub3A_440], %get3A_387 masked %ge3A_388 : memref<8256xf32, #tpu.memory_space<vmem>>[vector<16xi32>], vector<16xf32>, vector<16xi1>
        %all_reduce_population_count3A_441 = tpu.all_reduce %ge3A_388 {dim = 0 : i64, kind = #tpu.reduction_kind<sum>} : vector<16xi1> -> vector<16xi32>
        %add3A_442 = arith.addi %add3A_436, %all_reduce_population_count3A_441 : vector<16xi32>
        %add3A_443 = arith.addi %add3A_442, %masked_cumsum3A_401 : vector<16xi32>
        %sub3A_444 = arith.constant 1 : i32
        %sub3A_445 = vector.broadcast %sub3A_444 : i32 to vector<16xi32>
        %sub3A_446 = arith.subi %add3A_443, %sub3A_445 : vector<16xi32>
        tpu.vector_store_idx %arg8[%sub3A_446], %get3A_396 masked %ge3A_397 : memref<8256xf32, #tpu.memory_space<vmem>>[vector<16xi32>], vector<16xf32>, vector<16xi1>
        %all_reduce_population_count3A_447 = tpu.all_reduce %ge3A_397 {dim = 0 : i64, kind = #tpu.reduction_kind<sum>} : vector<16xi1> -> vector<16xi32>
        %add3A_448 = arith.addi %add3A_442, %all_reduce_population_count3A_447 : vector<16xi32>
        scf.yield %add3A_448 : vector<16xi32>
      }
      %scan3A_192 = arith.constant 64 : i32
      %reduce_sum3A = arith.constant true
      %reduce_sum3A_193 = vector.broadcast %reduce_sum3A : i1 to vector<16xi1>
      %reduce_sum3A_194 = tpu.scan <sum>, %scan3A_191 masked %reduce_sum3A_193 : vector<16xi32>, vector<16xi1> -> vector<16xi32>
      %reduce_sum3A_195 = vector.extract %reduce_sum3A_194[15] : i32 from vector<16xi32>
      %jit3A_196 = arith.constant 16 : i32
      %div3A_197 = arith.divsi %reduce_sum3A_195, %jit3A_196 : i32
      %sign3A_198 = arith.constant 0 : i32
      %sign3A_199 = arith.cmpi sgt, %reduce_sum3A_195, %sign3A_198 : i32
      %sign3A_200 = arith.extui %sign3A_199 : i1 to i32
      %sign3A_201 = arith.constant 0 : i32
      %sign3A_202 = arith.cmpi slt, %reduce_sum3A_195, %sign3A_201 : i32
      %sign3A_203 = arith.extui %sign3A_202 : i1 to i32
      %sign3A_204 = arith.subi %sign3A_200, %sign3A_203 : i32
      %sign3A_205 = arith.constant 0 : i32
      %sign3A_206 = arith.cmpi sgt, %jit3A_196, %sign3A_205 : i32
      %sign3A_207 = arith.extui %sign3A_206 : i1 to i32
      %sign3A_208 = arith.constant 0 : i32
      %sign3A_209 = arith.cmpi slt, %jit3A_196, %sign3A_208 : i32
      %sign3A_210 = arith.extui %sign3A_209 : i1 to i32
      %sign3A_211 = arith.subi %sign3A_207, %sign3A_210 : i32
      %ne3A_212 = arith.cmpi ne, %sign3A_204, %sign3A_211 : i32
      %rem3A_213 = arith.remsi %reduce_sum3A_195, %jit3A_196 : i32
      %ne3A_214 = arith.constant 0 : i32
      %ne3A_215 = arith.cmpi ne, %rem3A_213, %ne3A_214 : i32
      %and3A_216 = arith.andi %ne3A_212, %ne3A_215 : i1
      %sub3A_217 = arith.constant 1 : i32
      %sub3A_218 = arith.subi %div3A_197, %sub3A_217 : i32
      %select_n3A_219 = arith.select %and3A_216, %sub3A_218, %div3A_197 : i32
      %broadcast_in_dim3A_220 = arith.constant 0.000000e+00 : f32
      %broadcast_in_dim3A_221 = vector.broadcast %broadcast_in_dim3A_220 : f32 to vector<16xf32>
      %add3A_222 = arith.constant 0 : i32
      %add3A_223 = arith.addi %select_n3A_219, %add3A_222 : i32
      %swap3A = arith.index_cast %add3A_223 : i32 to index
      %swap3A_224 = tpu.vector_load %arg8[%swap3A] {strides = array<i32>} : memref<8256xf32, #tpu.memory_space<vmem>>, vector<16xf32>,
      tpu.vector_store %arg8[%swap3A], %broadcast_in_dim3A_221 {strides = array<i32>} : memref<8256xf32, #tpu.memory_space<vmem>>, vector<16xf32>,
      %broadcast_in_dim3A_225 = arith.constant 0.000000e+00 : f32
      %broadcast_in_dim3A_226 = vector.broadcast %broadcast_in_dim3A_225 : f32 to vector<16xf32>
      %add3A_227 = arith.constant 16 : i32
      %add3A_228 = arith.addi %select_n3A_219, %add3A_227 : i32
      %swap3A_229 = arith.index_cast %add3A_228 : i32 to index
      %swap3A_230 = tpu.vector_load %arg8[%swap3A_229] {strides = array<i32>} : memref<8256xf32, #tpu.memory_space<vmem>>, vector<16xf32>,
      tpu.vector_store %arg8[%swap3A_229], %broadcast_in_dim3A_226 {strides = array<i32>} : memref<8256xf32, #tpu.memory_space<vmem>>, vector<16xf32>,
      %broadcast_in_dim3A_231 = arith.constant 0.000000e+00 : f32
      %broadcast_in_dim3A_232 = vector.broadcast %broadcast_in_dim3A_231 : f32 to vector<16xf32>
      %add3A_233 = arith.constant 32 : i32
      %add3A_234 = arith.addi %select_n3A_219, %add3A_233 : i32
      %swap3A_235 = arith.index_cast %add3A_234 : i32 to index
      %swap3A_236 = tpu.vector_load %arg8[%swap3A_235] {strides = array<i32>} : memref<8256xf32, #tpu.memory_space<vmem>>, vector<16xf32>,
      tpu.vector_store %arg8[%swap3A_235], %broadcast_in_dim3A_232 {strides = array<i32>} : memref<8256xf32, #tpu.memory_space<vmem>>, vector<16xf32>,
      %broadcast_in_dim3A_237 = arith.constant 0.000000e+00 : f32
      %broadcast_in_dim3A_238 = vector.broadcast %broadcast_in_dim3A_237 : f32 to vector<16xf32>
      %add3A_239 = arith.constant 48 : i32
      %add3A_240 = arith.addi %select_n3A_219, %add3A_239 : i32
      %swap3A_241 = arith.index_cast %add3A_240 : i32 to index
      %swap3A_242 = tpu.vector_load %arg8[%swap3A_241] {strides = array<i32>} : memref<8256xf32, #tpu.memory_space<vmem>>, vector<16xf32>,
      tpu.vector_store %arg8[%swap3A_241], %broadcast_in_dim3A_238 {strides = array<i32>} : memref<8256xf32, #tpu.memory_space<vmem>>, vector<16xf32>,
      %add3A_243 = arith.constant 63 : i32
      %add3A_244 = arith.addi %select_n3A_219, %add3A_243 : i32
      %jit3A_245 = arith.constant 64 : i32
      %div3A_246 = arith.divsi %add3A_244, %jit3A_245 : i32
      %sign3A_247 = arith.constant 0 : i32
      %sign3A_248 = arith.cmpi sgt, %add3A_244, %sign3A_247 : i32
      %sign3A_249 = arith.extui %sign3A_248 : i1 to i32
      %sign3A_250 = arith.constant 0 : i32
      %sign3A_251 = arith.cmpi slt, %add3A_244, %sign3A_250 : i32
      %sign3A_252 = arith.extui %sign3A_251 : i1 to i32
      %sign3A_253 = arith.subi %sign3A_249, %sign3A_252 : i32
      %sign3A_254 = arith.constant 0 : i32
      %sign3A_255 = arith.cmpi sgt, %jit3A_245, %sign3A_254 : i32
      %sign3A_256 = arith.extui %sign3A_255 : i1 to i32
      %sign3A_257 = arith.constant 0 : i32
      %sign3A_258 = arith.cmpi slt, %jit3A_245, %sign3A_257 : i32
      %sign3A_259 = arith.extui %sign3A_258 : i1 to i32
      %sign3A_260 = arith.subi %sign3A_256, %sign3A_259 : i32
      %ne3A_261 = arith.cmpi ne, %sign3A_253, %sign3A_260 : i32
      %rem3A_262 = arith.remsi %add3A_244, %jit3A_245 : i32
      %ne3A_263 = arith.constant 0 : i32
      %ne3A_264 = arith.cmpi ne, %rem3A_262, %ne3A_263 : i32
      %and3A_265 = arith.andi %ne3A_261, %ne3A_264 : i1
      %sub3A_266 = arith.constant 1 : i32
      %sub3A_267 = arith.subi %div3A_246, %sub3A_266 : i32
      %select_n3A_268 = arith.select %and3A_265, %sub3A_267, %div3A_246 : i32
      %bitcast3A = vector.bitcast %max3A_179 : vector<16xf32> to vector<16xi32>
      %bitcast3A_269 = vector.bitcast %broadcast_in_dim3A_184 : vector<16xf32> to vector<16xi32>
      %add3A_270 = arith.constant 1 : i32
      %add3A_271 = vector.broadcast %add3A_270 : i32 to vector<16xi32>
      %add3A_272 = arith.addi %bitcast3A_269, %add3A_271 : vector<16xi32>
      %add3A_273 = arith.constant 1 : i32
      %add3A_274 = vector.broadcast %add3A_273 : i32 to vector<16xi32>
      %add3A_275 = arith.addi %bitcast3A, %add3A_274 : vector<16xi32>
      %max3A_276 = arith.maxsi %add3A_272, %add3A_275 : vector<16xi32>
      %scan3A_277 = arith.constant 0 : i32
      %scan3A_278 = arith.constant 31 : i32
      %scan3A_279 = arith.addi %scan3A_277, %scan3A_278 : i32
      %scan3A_280 = arith.constant 1 : i32
      %scan3A_281:2 = scf.for %scan3A_331 = %scan3A_277 to %scan3A_279 step %scan3A_280 iter_args(%scan3A_332 = %bitcast3A, %scan3A_333 = %max3A_276) -> (vector<16xi32>, vector<16xi32>)  : i32 {
        %sub3A_334 = arith.subi %scan3A_333, %scan3A_332 : vector<16xi32>
        %shift_right_logical3A = arith.constant 1 : i32
        %shift_right_logical3A_335 = vector.broadcast %shift_right_logical3A : i32 to vector<16xi32>
        %shift_right_logical3A_336 = arith.shrui %sub3A_334, %shift_right_logical3A_335 : vector<16xi32>
        %add3A_337 = arith.addi %scan3A_332, %shift_right_logical3A_336 : vector<16xi32>
        %broadcast_in_dim3A_338 = arith.constant 0 : i32
        %broadcast_in_dim3A_339 = vector.broadcast %broadcast_in_dim3A_338 : i32 to vector<16xi32>
        %while3A = arith.constant 0 : i32
        %while3A_340 = arith.subi %select_n3A_268, %while3A : i32
        %while3A_341 = arith.addi %while3A, %while3A_340 : i32
        %while3A_342 = arith.constant 1 : i32
        %while3A_343 = arith.divsi %while3A_340, %while3A_342 : i32
        %while3A_344 = arith.muli %while3A_343, %while3A_342 : i32
        %while3A_345 = arith.addi %while3A, %while3A_344 : i32
        %while3A_346 = arith.constant 1 : i32
        %while3A_347 = scf.for %while3A_354 = %while3A to %while3A_345 step %while3A_346 iter_args(%while3A_355 = %broadcast_in_dim3A_339) -> (vector<16xi32>)  : i32 {
          %mul3A_356 = arith.constant 64 : i32
          %mul3A_357 = arith.muli %while3A_354, %mul3A_356 : i32
          %add3A_358 = arith.constant 0 : i32
          %add3A_359 = arith.addi %mul3A_357, %add3A_358 : i32
          %get3A = arith.index_cast %add3A_359 : i32 to index
          %get3A_360 = tpu.vector_load %arg8[%get3A] {strides = array<i32>} : memref<8256xf32, #tpu.memory_space<vmem>>, vector<16xf32>,
          %bitcast3A_361 = vector.bitcast %get3A_360 : vector<16xf32> to vector<16xi32>
          %ge3A_362 = arith.cmpi sge, %bitcast3A_361, %add3A_337 : vector<16xi32>
          %all_reduce_population_count3A = tpu.all_reduce %ge3A_362 {dim = 0 : i64, kind = #tpu.reduction_kind<sum>} : vector<16xi1> -> vector<16xi32>
          %add3A_363 = arith.addi %while3A_355, %all_reduce_population_count3A : vector<16xi32>
          %mul3A_364 = arith.constant 64 : i32
          %mul3A_365 = arith.muli %while3A_354, %mul3A_364 : i32
          %add3A_366 = arith.constant 16 : i32
          %add3A_367 = arith.addi %mul3A_365, %add3A_366 : i32
          %get3A_368 = arith.index_cast %add3A_367 : i32 to index
          %get3A_369 = tpu.vector_load %arg8[%get3A_368] {strides = array<i32>} : memref<8256xf32, #tpu.memory_space<vmem>>, vector<16xf32>,
          %bitcast3A_370 = vector.bitcast %get3A_369 : vector<16xf32> to vector<16xi32>
          %ge3A_371 = arith.cmpi sge, %bitcast3A_370, %add3A_337 : vector<16xi32>
          %all_reduce_population_count3A_372 = tpu.all_reduce %ge3A_371 {dim = 0 : i64, kind = #tpu.reduction_kind<sum>} : vector<16xi1> -> vector<16xi32>
          %add3A_373 = arith.addi %add3A_363, %all_reduce_population_count3A_372 : vector<16xi32>
          %mul3A_374 = arith.constant 64 : i32
          %mul3A_375 = arith.muli %while3A_354, %mul3A_374 : i32
          %add3A_376 = arith.constant 32 : i32
          %add3A_377 = arith.addi %mul3A_375, %add3A_376 : i32
          %get3A_378 = arith.index_cast %add3A_377 : i32 to index
          %get3A_379 = tpu.vector_load %arg8[%get3A_378] {strides = array<i32>} : memref<8256xf32, #tpu.memory_space<vmem>>, vector<16xf32>,
          %bitcast3A_380 = vector.bitcast %get3A_379 : vector<16xf32> to vector<16xi32>
          %ge3A_381 = arith.cmpi sge, %bitcast3A_380, %add3A_337 : vector<16xi32>
          %all_reduce_population_count3A_382 = tpu.all_reduce %ge3A_381 {dim = 0 : i64, kind = #tpu.reduction_kind<sum>} : vector<16xi1> -> vector<16xi32>
          %add3A_383 = arith.addi %add3A_373, %all_reduce_population_count3A_382 : vector<16xi32>
          %mul3A_384 = arith.constant 64 : i32
          %mul3A_385 = arith.muli %while3A_354, %mul3A_384 : i32
          %add3A_386 = arith.constant 48 : i32
          %add3A_387 = arith.addi %mul3A_385, %add3A_386 : i32
          %get3A_388 = arith.index_cast %add3A_387 : i32 to index
          %get3A_389 = tpu.vector_load %arg8[%get3A_388] {strides = array<i32>} : memref<8256xf32, #tpu.memory_space<vmem>>, vector<16xf32>,
          %bitcast3A_390 = vector.bitcast %get3A_389 : vector<16xf32> to vector<16xi32>
          %ge3A_391 = arith.cmpi sge, %bitcast3A_390, %add3A_337 : vector<16xi32>
          %all_reduce_population_count3A_392 = tpu.all_reduce %ge3A_391 {dim = 0 : i64, kind = #tpu.reduction_kind<sum>} : vector<16xi1> -> vector<16xi32>
          %add3A_393 = arith.addi %add3A_383, %all_reduce_population_count3A_392 : vector<16xi32>
          scf.yield %add3A_393 : vector<16xi32>
        }
        %while3A_348 = arith.constant 1 : i32
        %while3A_349 = scf.for %while3A_354 = %while3A_345 to %while3A_341 step %while3A_348 iter_args(%while3A_355 = %while3A_347) -> (vector<16xi32>)  : i32 {
          %mul3A_356 = arith.constant 64 : i32
          %mul3A_357 = arith.muli %while3A_354, %mul3A_356 : i32
          %add3A_358 = arith.constant 0 : i32
          %add3A_359 = arith.addi %mul3A_357, %add3A_358 : i32
          %get3A = arith.index_cast %add3A_359 : i32 to index
          %get3A_360 = tpu.vector_load %arg8[%get3A] {strides = array<i32>} : memref<8256xf32, #tpu.memory_space<vmem>>, vector<16xf32>,
          %bitcast3A_361 = vector.bitcast %get3A_360 : vector<16xf32> to vector<16xi32>
          %ge3A_362 = arith.cmpi sge, %bitcast3A_361, %add3A_337 : vector<16xi32>
          %all_reduce_population_count3A = tpu.all_reduce %ge3A_362 {dim = 0 : i64, kind = #tpu.reduction_kind<sum>} : vector<16xi1> -> vector<16xi32>
          %add3A_363 = arith.addi %while3A_355, %all_reduce_population_count3A : vector<16xi32>
          %mul3A_364 = arith.constant 64 : i32
          %mul3A_365 = arith.muli %while3A_354, %mul3A_364 : i32
          %add3A_366 = arith.constant 16 : i32
          %add3A_367 = arith.addi %mul3A_365, %add3A_366 : i32
          %get3A_368 = arith.index_cast %add3A_367 : i32 to index
          %get3A_369 = tpu.vector_load %arg8[%get3A_368] {strides = array<i32>} : memref<8256xf32, #tpu.memory_space<vmem>>, vector<16xf32>,
          %bitcast3A_370 = vector.bitcast %get3A_369 : vector<16xf32> to vector<16xi32>
          %ge3A_371 = arith.cmpi sge, %bitcast3A_370, %add3A_337 : vector<16xi32>
          %all_reduce_population_count3A_372 = tpu.all_reduce %ge3A_371 {dim = 0 : i64, kind = #tpu.reduction_kind<sum>} : vector<16xi1> -> vector<16xi32>
          %add3A_373 = arith.addi %add3A_363, %all_reduce_population_count3A_372 : vector<16xi32>
          %mul3A_374 = arith.constant 64 : i32
          %mul3A_375 = arith.muli %while3A_354, %mul3A_374 : i32
          %add3A_376 = arith.constant 32 : i32
          %add3A_377 = arith.addi %mul3A_375, %add3A_376 : i32
          %get3A_378 = arith.index_cast %add3A_377 : i32 to index
          %get3A_379 = tpu.vector_load %arg8[%get3A_378] {strides = array<i32>} : memref<8256xf32, #tpu.memory_space<vmem>>, vector<16xf32>,
          %bitcast3A_380 = vector.bitcast %get3A_379 : vector<16xf32> to vector<16xi32>
          %ge3A_381 = arith.cmpi sge, %bitcast3A_380, %add3A_337 : vector<16xi32>
          %all_reduce_population_count3A_382 = tpu.all_reduce %ge3A_381 {dim = 0 : i64, kind = #tpu.reduction_kind<sum>} : vector<16xi1> -> vector<16xi32>
          %add3A_383 = arith.addi %add3A_373, %all_reduce_population_count3A_382 : vector<16xi32>
          %mul3A_384 = arith.constant 64 : i32
          %mul3A_385 = arith.muli %while3A_354, %mul3A_384 : i32
          %add3A_386 = arith.constant 48 : i32
          %add3A_387 = arith.addi %mul3A_385, %add3A_386 : i32
          %get3A_388 = arith.index_cast %add3A_387 : i32 to index
          %get3A_389 = tpu.vector_load %arg8[%get3A_388] {strides = array<i32>} : memref<8256xf32, #tpu.memory_space<vmem>>, vector<16xf32>,
          %bitcast3A_390 = vector.bitcast %get3A_389 : vector<16xf32> to vector<16xi32>
          %ge3A_391 = arith.cmpi sge, %bitcast3A_390, %add3A_337 : vector<16xi32>
          %all_reduce_population_count3A_392 = tpu.all_reduce %ge3A_391 {dim = 0 : i64, kind = #tpu.reduction_kind<sum>} : vector<16xi1> -> vector<16xi32>
          %add3A_393 = arith.addi %add3A_383, %all_reduce_population_count3A_392 : vector<16xi32>
          scf.yield %add3A_393 : vector<16xi32>
        }
        %ge3A = arith.constant 64 : i32
        %ge3A_350 = vector.broadcast %ge3A : i32 to vector<16xi32>
        %ge3A_351 = arith.cmpi sge, %while3A_349, %ge3A_350 : vector<16xi32>
        %select_n3A_352 = arith.select %ge3A_351, %add3A_337, %scan3A_332 : vector<16xi1>, vector<16xi32>
        %select_n3A_353 = arith.select %ge3A_351, %scan3A_333, %add3A_337 : vector<16xi1>, vector<16xi32>
        scf.yield %select_n3A_352, %select_n3A_353 : vector<16xi32>, vector<16xi32>
      }
      %scan3A_282 = arith.constant 31 : i32
      %bitcast3A_283 = vector.bitcast %scan3A_281#0 : vector<16xi32> to vector<16xf32>
      %max3A_284 = vector.broadcast %scan3A_61 : f32 to vector<16xf32>
      %max3A_285 = arith.maximumf %bitcast3A_283, %max3A_284 : vector<16xf32>
      %jit3A_286 = arith.constant 16 : i32
      %eq3A_287 = arith.constant 0 : i32
      %eq3A_288 = arith.cmpi eq, %jit3A_286, %eq3A_287 : i32
      %jit3A_289 = arith.constant 1 : i32
      %select_n3A_290 = arith.select %eq3A_288, %jit3A_289, %jit3A_286 : i32
      %rem3A_291 = arith.remsi %scan3A_68, %select_n3A_290 : i32
      %ne3A_292 = arith.constant 0 : i32
      %ne3A_293 = arith.cmpi ne, %rem3A_291, %ne3A_292 : i32
      %lt3A_294 = arith.constant 0 : i32
      %lt3A_295 = arith.cmpi slt, %rem3A_291, %lt3A_294 : i32
      %lt3A_296 = arith.constant 0 : i32
      %lt3A_297 = arith.cmpi slt, %select_n3A_290, %lt3A_296 : i32
      %ne3A_298 = arith.xori %lt3A_295, %lt3A_297 : i1
      %and3A_299 = arith.andi %ne3A_298, %ne3A_293 : i1
      %add3A_300 = arith.addi %rem3A_291, %select_n3A_290 : i32
      %select_n3A_301 = arith.select %and3A_299, %add3A_300, %rem3A_291 : i32
      %eq3A_302 = vector.broadcast %select_n3A_301 : i32 to vector<16xi32>
      %eq3A_303 = arith.cmpi eq, %iota3A, %eq3A_302 : vector<16xi32>
      %select_n3A_304 = arith.select %eq3A_303, %max3A_285, %scan3A_69 : vector<16xi1>, vector<16xf32>
      %jit3A_305 = arith.constant 16 : i32
      %eq3A_306 = arith.constant 0 : i32
      %eq3A_307 = arith.cmpi eq, %jit3A_305, %eq3A_306 : i32
      %jit3A_308 = arith.constant 1 : i32
      %select_n3A_309 = arith.select %eq3A_307, %jit3A_308, %jit3A_305 : i32
      %rem3A_310 = arith.remsi %scan3A_68, %select_n3A_309 : i32
      %ne3A_311 = arith.constant 0 : i32
      %ne3A_312 = arith.cmpi ne, %rem3A_310, %ne3A_311 : i32
      %lt3A_313 = arith.constant 0 : i32
      %lt3A_314 = arith.cmpi slt, %rem3A_310, %lt3A_313 : i32
      %lt3A_315 = arith.constant 0 : i32
      %lt3A_316 = arith.cmpi slt, %select_n3A_309, %lt3A_315 : i32
      %ne3A_317 = arith.xori %lt3A_314, %lt3A_316 : i1
      %and3A_318 = arith.andi %ne3A_317, %ne3A_312 : i1
      %add3A_319 = arith.addi %rem3A_310, %select_n3A_309 : i32
      %select_n3A_320 = arith.select %and3A_318, %add3A_319, %rem3A_310 : i32
      %eq3A_321 = arith.constant 15 : i32
      %eq3A_322 = arith.cmpi eq, %select_n3A_320, %eq3A_321 : i32
      %convert_element_type3A = arith.extui %eq3A_322 : i1 to i32
      %cond3A = arith.constant 0 : i32
      %cond3A_323 = arith.cmpi ne, %convert_element_type3A, %cond3A : i32
      scf.if %cond3A_323 {
        %jit3A_331 = arith.constant 16 : i32
        %div3A_332 = arith.divsi %scan3A_68, %jit3A_331 : i32
        %sign3A_333 = arith.constant 0 : i32
        %sign3A_334 = arith.cmpi sgt, %scan3A_68, %sign3A_333 : i32
        %sign3A_335 = arith.extui %sign3A_334 : i1 to i32
        %sign3A_336 = arith.constant 0 : i32
        %sign3A_337 = arith.cmpi slt, %scan3A_68, %sign3A_336 : i32
        %sign3A_338 = arith.extui %sign3A_337 : i1 to i32
        %sign3A_339 = arith.subi %sign3A_335, %sign3A_338 : i32
        %sign3A_340 = arith.constant 0 : i32
        %sign3A_341 = arith.cmpi sgt, %jit3A_331, %sign3A_340 : i32
        %sign3A_342 = arith.extui %sign3A_341 : i1 to i32
        %sign3A_343 = arith.constant 0 : i32
        %sign3A_344 = arith.cmpi slt, %jit3A_331, %sign3A_343 : i32
        %sign3A_345 = arith.extui %sign3A_344 : i1 to i32
        %sign3A_346 = arith.subi %sign3A_342, %sign3A_345 : i32
        %ne3A_347 = arith.cmpi ne, %sign3A_339, %sign3A_346 : i32
        %rem3A_348 = arith.remsi %scan3A_68, %jit3A_331 : i32
        %ne3A_349 = arith.constant 0 : i32
        %ne3A_350 = arith.cmpi ne, %rem3A_348, %ne3A_349 : i32
        %and3A_351 = arith.andi %ne3A_347, %ne3A_350 : i1
        %sub3A_352 = arith.constant 1 : i32
        %sub3A_353 = arith.subi %div3A_332, %sub3A_352 : i32
        %select_n3A_354 = arith.select %and3A_351, %sub3A_353, %div3A_332 : i32
        %mul3A_355 = arith.constant 16 : i32
        %mul3A_356 = arith.muli %select_n3A_354, %mul3A_355 : i32
        %swap3A_357 = arith.index_cast %mul3A_356 : i32 to index
        %swap3A_358 = tpu.vector_load %arg9[%swap3A_357] {strides = array<i32>} : memref<64xf32, #tpu.memory_space<vmem>>, vector<16xf32>,
        tpu.vector_store %arg9[%swap3A_357], %select_n3A_304 {strides = array<i32>} : memref<64xf32, #tpu.memory_space<vmem>>, vector<16xf32>,
      } else {
      }
      %dma_wait3A_324 = arith.constant 0 : i32
      %dma_wait3A_325 = arith.constant 0 : i32
      %dma_wait3A_326 = tpu.memref_slice %arg7[%select_n3A_106, %dma_wait3A_324, %dma_wait3A_325] : memref<2x64x128xf32, #tpu.memory_space<vmem>> -> memref<1x64x128xf32, #tpu.memory_space<vmem>>
      %dma_wait3A_327 = tpu.memref_squeeze %dma_wait3A_326 : memref<1x64x128xf32, #tpu.memory_space<vmem>> -> memref<64x128xf32, #tpu.memory_space<vmem>>
      %dma_wait3A_328 = arith.constant 0 : i32
      %dma_wait3A_329 = arith.constant 0 : i32
      %dma_wait3A_330 = tpu.memref_slice %arg2[%dma_wait3A_328, %dma_wait3A_329] : memref<393216x128xf32, #tpu.memory_space<hbm>> -> memref<393216x128xf32, #tpu.memory_space<hbm>>
      tpu.wait_indirect_dma semaphore(%arg10 : memref<!tpu.dma_semaphore, #tpu.memory_space<semaphore_mem>>) src(%dma_wait3A_330 : memref<393216x128xf32, #tpu.memory_space<hbm>>) dst(%dma_wait3A_327 : memref<64x128xf32, #tpu.memory_space<vmem>>)
      scf.yield %select_n3A_304 : vector<16xf32>
    }
    %scan3A_67 = arith.constant 64 : i32
    "tpu.region"() ({
      %run_scoped3A = tpu.sem_alloc : memref<!tpu.dma_semaphore, #tpu.memory_space<semaphore_mem>>
      %dma_start3A_68 = tpu.memref_slice %arg4[%mul3A_2] : memref<2048xf32, #tpu.memory_space<hbm>> -> memref<64xf32, #tpu.memory_space<hbm>>
      %dma_start3A_69 = tpu.memref_slice %arg4[%mul3A_2] : memref<2048xf32, #tpu.memory_space<hbm>> -> memref<64xf32, #tpu.memory_space<hbm>>
      tpu.enqueue_dma source(%arg9 : memref<64xf32, #tpu.memory_space<vmem>>) target(%dma_start3A_69 : memref<64xf32, #tpu.memory_space<hbm>>) target_semaphore(%run_scoped3A : memref<!tpu.dma_semaphore, #tpu.memory_space<semaphore_mem>>)
      %dma_wait3A_70 = tpu.memref_slice %arg4[%mul3A_2] : memref<2048xf32, #tpu.memory_space<hbm>> -> memref<64xf32, #tpu.memory_space<hbm>>
      %dma_wait3A_71 = tpu.memref_slice %arg4[%mul3A_2] : memref<2048xf32, #tpu.memory_space<hbm>> -> memref<64xf32, #tpu.memory_space<hbm>>
      tpu.wait_dma2 semaphore(%run_scoped3A : memref<!tpu.dma_semaphore, #tpu.memory_space<semaphore_mem>>) src(%arg9 : memref<64xf32, #tpu.memory_space<vmem>>) dst(%dma_wait3A_71 : memref<64xf32, #tpu.memory_space<hbm>>)
      tpu.yield
    }) : () -> ()
    return
  }
}

#map = affine_map<(d0, d1) -> (0, 0)>
#map1 = affine_map<(d0, d1) -> (0)>
module attributes {stable_mosaic.version = 14 : i64} {
  func.func @_sc_select_body(%arg0: i32, %arg1: i32, %arg2: memref<393216x128xf32, #tpu.memory_space<hbm>>, %arg3: memref<131072xi32, #tpu.memory_space<hbm>>, %arg4: memref<2048xf32, #tpu.memory_space<hbm>>, %arg5: memref<4096xi32, #tpu.memory_space<vmem>>, %arg6: memref<64xi32, #tpu.memory_space<vmem>>, %arg7: memref<2x64x128xf32, #tpu.memory_space<vmem>>, %arg8: memref<8256xf32, #tpu.memory_space<vmem>>, %arg9: memref<64xf32, #tpu.memory_space<vmem>>, %arg10: memref<!tpu.dma_semaphore, #tpu.memory_space<semaphore_mem>>) attributes {dimension_semantics = [#tpu.dimension_semantics<core_parallel>, #tpu.dimension_semantics<subcore_parallel>], iteration_bounds = array<i64: 2, 16>, scalar_prefetch = 0 : i64, scratch_operands = 6 : i64, tpu.core_type = #tpu.core_type<sc_vector_subcore>, window_params = [{transform_indices = #map}, {transform_indices = #map1}, {transform_indices = #map1}]} {
    %mul3A = arith.constant 2 : i32
    %mul3A_0 = arith.muli %arg1, %mul3A : i32
    %add3A = arith.addi %mul3A_0, %arg0 : i32
    %mul3A_1 = arith.constant 64 : i32
    %mul3A_2 = arith.muli %add3A, %mul3A_1 : i32
    %iota3A = tpu.iota {dimensions = array<i32: 0>} : vector<16xi32>
    %mul3A_3 = arith.constant 64 : i32
    %mul3A_4 = arith.muli %mul3A_2, %mul3A_3 : i32
    "tpu.region"() ({
      %run_scoped3A = tpu.sem_alloc : memref<!tpu.dma_semaphore, #tpu.memory_space<semaphore_mem>>
      %dma_start3A_68 = tpu.memref_slice %arg3[%mul3A_4] : memref<131072xi32, #tpu.memory_space<hbm>> -> memref<4096xi32, #tpu.memory_space<hbm>>
      %dma_start3A_69 = tpu.memref_slice %arg3[%mul3A_4] : memref<131072xi32, #tpu.memory_space<hbm>> -> memref<4096xi32, #tpu.memory_space<hbm>>
      tpu.enqueue_dma source(%dma_start3A_69 : memref<4096xi32, #tpu.memory_space<hbm>>) target(%arg5 : memref<4096xi32, #tpu.memory_space<vmem>>) target_semaphore(%run_scoped3A : memref<!tpu.dma_semaphore, #tpu.memory_space<semaphore_mem>>)
      %dma_wait3A_70 = tpu.memref_slice %arg3[%mul3A_4] : memref<131072xi32, #tpu.memory_space<hbm>> -> memref<4096xi32, #tpu.memory_space<hbm>>
      %dma_wait3A_71 = tpu.memref_slice %arg3[%mul3A_4] : memref<131072xi32, #tpu.memory_space<hbm>> -> memref<4096xi32, #tpu.memory_space<hbm>>
      tpu.wait_dma2 semaphore(%run_scoped3A : memref<!tpu.dma_semaphore, #tpu.memory_space<semaphore_mem>>) src(%dma_wait3A_71 : memref<4096xi32, #tpu.memory_space<hbm>>) dst(%arg5 : memref<4096xi32, #tpu.memory_space<vmem>>)
      tpu.yield
    }) : () -> ()
    %add3A_5 = arith.constant 0 : i32
    %add3A_6 = arith.addi %mul3A_2, %add3A_5 : i32
    %jit3A = arith.constant 8 : i32
    %div3A = arith.divsi %add3A_6, %jit3A : i32
    %sign3A = arith.constant 0 : i32
    %sign3A_7 = arith.cmpi sgt, %add3A_6, %sign3A : i32
    %sign3A_8 = arith.extui %sign3A_7 : i1 to i32
    %sign3A_9 = arith.constant 0 : i32
    %sign3A_10 = arith.cmpi slt, %add3A_6, %sign3A_9 : i32
    %sign3A_11 = arith.extui %sign3A_10 : i1 to i32
    %sign3A_12 = arith.subi %sign3A_8, %sign3A_11 : i32
    %sign3A_13 = arith.constant 0 : i32
    %sign3A_14 = arith.cmpi sgt, %jit3A, %sign3A_13 : i32
    %sign3A_15 = arith.extui %sign3A_14 : i1 to i32
    %sign3A_16 = arith.constant 0 : i32
    %sign3A_17 = arith.cmpi slt, %jit3A, %sign3A_16 : i32
    %sign3A_18 = arith.extui %sign3A_17 : i1 to i32
    %sign3A_19 = arith.subi %sign3A_15, %sign3A_18 : i32
    %ne3A = arith.cmpi ne, %sign3A_12, %sign3A_19 : i32
    %rem3A = arith.remsi %add3A_6, %jit3A : i32
    %ne3A_20 = arith.constant 0 : i32
    %ne3A_21 = arith.cmpi ne, %rem3A, %ne3A_20 : i32
    %and3A = arith.andi %ne3A, %ne3A_21 : i1
    %sub3A = arith.constant 1 : i32
    %sub3A_22 = arith.subi %div3A, %sub3A : i32
    %select_n3A = arith.select %and3A, %sub3A_22, %div3A : i32
    %mul3A_23 = arith.constant 1536 : i32
    %mul3A_24 = arith.muli %select_n3A, %mul3A_23 : i32
    %jit3A_25 = arith.constant 8 : i32
    %eq3A = arith.constant 0 : i32
    %eq3A_26 = arith.cmpi eq, %jit3A_25, %eq3A : i32
    %jit3A_27 = arith.constant 1 : i32
    %select_n3A_28 = arith.select %eq3A_26, %jit3A_27, %jit3A_25 : i32
    %rem3A_29 = arith.remsi %add3A_6, %select_n3A_28 : i32
    %ne3A_30 = arith.constant 0 : i32
    %ne3A_31 = arith.cmpi ne, %rem3A_29, %ne3A_30 : i32
    %lt3A = arith.constant 0 : i32
    %lt3A_32 = arith.cmpi slt, %rem3A_29, %lt3A : i32
    %lt3A_33 = arith.constant 0 : i32
    %lt3A_34 = arith.cmpi slt, %select_n3A_28, %lt3A_33 : i32
    %ne3A_35 = arith.xori %lt3A_32, %lt3A_34 : i1
    %and3A_36 = arith.andi %ne3A_35, %ne3A_31 : i1
    %add3A_37 = arith.addi %rem3A_29, %select_n3A_28 : i32
    %select_n3A_38 = arith.select %and3A_36, %add3A_37, %rem3A_29 : i32
    %add3A_39 = arith.addi %mul3A_24, %select_n3A_38 : i32
    %scan3A = arith.constant 0 : i32
    %scan3A_40 = arith.constant 0 : i32
    %scan3A_41 = arith.constant 4 : i32
    %scan3A_42 = arith.addi %scan3A_40, %scan3A_41 : i32
    %scan3A_43 = arith.constant 1 : i32
    %scan3A_44 = scf.for %scan3A_68 = %scan3A_40 to %scan3A_42 step %scan3A_43 iter_args(%scan3A_69 = %scan3A) -> (i32)  : i32 {
      %mul3A_70 = arith.constant 16 : i32
      %mul3A_71 = arith.muli %scan3A_68, %mul3A_70 : i32
      %add3A_72 = arith.constant 0 : i32
      %add3A_73 = arith.addi %add3A_72, %mul3A_71 : i32
      %get3A = arith.index_cast %add3A_73 : i32 to index
      %get3A_74 = tpu.vector_load %arg5[%get3A] {strides = array<i32>} : memref<4096xi32, #tpu.memory_space<vmem>>, vector<16xi32>,
      %mul3A_75 = arith.constant 8 : i32
      %mul3A_76 = vector.broadcast %mul3A_75 : i32 to vector<16xi32>
      %mul3A_77 = arith.muli %get3A_74, %mul3A_76 : vector<16xi32>
      %add3A_78 = vector.broadcast %add3A_39 : i32 to vector<16xi32>
      %add3A_79 = arith.addi %mul3A_77, %add3A_78 : vector<16xi32>
      %mul3A_80 = arith.constant 16 : i32
      %mul3A_81 = arith.muli %scan3A_68, %mul3A_80 : i32
      %swap3A = arith.index_cast %mul3A_81 : i32 to index
      %swap3A_82 = tpu.vector_load %arg6[%swap3A] {strides = array<i32>} : memref<64xi32, #tpu.memory_space<vmem>>, vector<16xi32>,
      tpu.vector_store %arg6[%swap3A], %add3A_79 {strides = array<i32>} : memref<64xi32, #tpu.memory_space<vmem>>, vector<16xi32>,
      %scan3A_83 = arith.constant 0 : i32
      scf.yield %scan3A_83 : i32
    }
    %scan3A_45 = arith.constant 4 : i32
    %dma_start3A = arith.constant 0 : i32
    %dma_start3A_46 = arith.constant 0 : i32
    %dma_start3A_47 = arith.constant 0 : i32
    %dma_start3A_48 = tpu.memref_slice %arg7[%dma_start3A, %dma_start3A_46, %dma_start3A_47] : memref<2x64x128xf32, #tpu.memory_space<vmem>> -> memref<1x64x128xf32, #tpu.memory_space<vmem>>
    %dma_start3A_49 = tpu.memref_squeeze %dma_start3A_48 : memref<1x64x128xf32, #tpu.memory_space<vmem>> -> memref<64x128xf32, #tpu.memory_space<vmem>>
    %dma_start3A_50 = arith.constant 0 : i32
    %dma_start3A_51 = arith.constant 0 : i32
    %dma_start3A_52 = tpu.memref_slice %arg2[%dma_start3A_50, %dma_start3A_51] : memref<393216x128xf32, #tpu.memory_space<hbm>> -> memref<393216x128xf32, #tpu.memory_space<hbm>>
    tpu.enqueue_indirect_dma source(%dma_start3A_52 : memref<393216x128xf32, #tpu.memory_space<hbm>>) target(%dma_start3A_49 : memref<64x128xf32, #tpu.memory_space<vmem>>) offsets(%arg6 : memref<64xi32, #tpu.memory_space<vmem>>) semaphore(%arg10 : memref<!tpu.dma_semaphore, #tpu.memory_space<semaphore_mem>>)
    %dma_wait3A = arith.constant 0 : i32
    %dma_wait3A_53 = arith.constant 0 : i32
    %dma_wait3A_54 = arith.constant 0 : i32
    %dma_wait3A_55 = tpu.memref_slice %arg7[%dma_wait3A, %dma_wait3A_53, %dma_wait3A_54] : memref<2x64x128xf32, #tpu.memory_space<vmem>> -> memref<1x64x128xf32, #tpu.memory_space<vmem>>
    %dma_wait3A_56 = tpu.memref_squeeze %dma_wait3A_55 : memref<1x64x128xf32, #tpu.memory_space<vmem>> -> memref<64x128xf32, #tpu.memory_space<vmem>>
    %dma_wait3A_57 = arith.constant 0 : i32
    %dma_wait3A_58 = arith.constant 0 : i32
    %dma_wait3A_59 = tpu.memref_slice %arg2[%dma_wait3A_57, %dma_wait3A_58] : memref<393216x128xf32, #tpu.memory_space<hbm>> -> memref<393216x128xf32, #tpu.memory_space<hbm>>
    tpu.wait_indirect_dma semaphore(%arg10 : memref<!tpu.dma_semaphore, #tpu.memory_space<semaphore_mem>>) src(%dma_wait3A_59 : memref<393216x128xf32, #tpu.memory_space<hbm>>) dst(%dma_wait3A_56 : memref<64x128xf32, #tpu.memory_space<vmem>>)
    %broadcast_in_dim3A = arith.constant 0.000000e+00 : f32
    %broadcast_in_dim3A_60 = vector.broadcast %broadcast_in_dim3A : f32 to vector<16xf32>
    %scan3A_61 = arith.constant 9.99999991E-38 : f32
    %scan3A_62 = arith.constant 0 : i32
    %scan3A_63 = arith.constant 64 : i32
    %scan3A_64 = arith.addi %scan3A_62, %scan3A_63 : i32
    %scan3A_65 = arith.constant 1 : i32
    %scan3A_66 = scf.for %scan3A_68 = %scan3A_62 to %scan3A_64 step %scan3A_65 iter_args(%scan3A_69 = %broadcast_in_dim3A_60) -> (vector<16xf32>)  : i32 {
      %jit3A_70 = arith.constant 2 : i32
      %eq3A_71 = arith.constant 0 : i32
      %eq3A_72 = arith.cmpi eq, %jit3A_70, %eq3A_71 : i32
      %jit3A_73 = arith.constant 1 : i32
      %select_n3A_74 = arith.select %eq3A_72, %jit3A_73, %jit3A_70 : i32
      %rem3A_75 = arith.remsi %scan3A_68, %select_n3A_74 : i32
      %ne3A_76 = arith.constant 0 : i32
      %ne3A_77 = arith.cmpi ne, %rem3A_75, %ne3A_76 : i32
      %lt3A_78 = arith.constant 0 : i32
      %lt3A_79 = arith.cmpi slt, %rem3A_75, %lt3A_78 : i32
      %lt3A_80 = arith.constant 0 : i32
      %lt3A_81 = arith.cmpi slt, %select_n3A_74, %lt3A_80 : i32
      %ne3A_82 = arith.xori %lt3A_79, %lt3A_81 : i1
      %and3A_83 = arith.andi %ne3A_82, %ne3A_77 : i1
      %add3A_84 = arith.addi %rem3A_75, %select_n3A_74 : i32
      %select_n3A_85 = arith.select %and3A_83, %add3A_84, %rem3A_75 : i32
      %add3A_86 = arith.constant 1 : i32
      %add3A_87 = arith.addi %scan3A_68, %add3A_86 : i32
      %min3A = arith.constant 63 : i32
      %min3A_88 = arith.minsi %add3A_87, %min3A : i32
      %add3A_89 = arith.constant 1 : i32
      %add3A_90 = arith.addi %scan3A_68, %add3A_89 : i32
      %jit3A_91 = arith.constant 2 : i32
      %eq3A_92 = arith.constant 0 : i32
      %eq3A_93 = arith.cmpi eq, %jit3A_91, %eq3A_92 : i32
      %jit3A_94 = arith.constant 1 : i32
      %select_n3A_95 = arith.select %eq3A_93, %jit3A_94, %jit3A_91 : i32
      %rem3A_96 = arith.remsi %add3A_90, %select_n3A_95 : i32
      %ne3A_97 = arith.constant 0 : i32
      %ne3A_98 = arith.cmpi ne, %rem3A_96, %ne3A_97 : i32
      %lt3A_99 = arith.constant 0 : i32
      %lt3A_100 = arith.cmpi slt, %rem3A_96, %lt3A_99 : i32
      %lt3A_101 = arith.constant 0 : i32
      %lt3A_102 = arith.cmpi slt, %select_n3A_95, %lt3A_101 : i32
      %ne3A_103 = arith.xori %lt3A_100, %lt3A_102 : i1
      %and3A_104 = arith.andi %ne3A_103, %ne3A_98 : i1
      %add3A_105 = arith.addi %rem3A_96, %select_n3A_95 : i32
      %select_n3A_106 = arith.select %and3A_104, %add3A_105, %rem3A_96 : i32
      %add3A_107 = arith.addi %mul3A_2, %min3A_88 : i32
      %jit3A_108 = arith.constant 8 : i32
      %div3A_109 = arith.divsi %add3A_107, %jit3A_108 : i32
      %sign3A_110 = arith.constant 0 : i32
      %sign3A_111 = arith.cmpi sgt, %add3A_107, %sign3A_110 : i32
      %sign3A_112 = arith.extui %sign3A_111 : i1 to i32
      %sign3A_113 = arith.constant 0 : i32
      %sign3A_114 = arith.cmpi slt, %add3A_107, %sign3A_113 : i32
      %sign3A_115 = arith.extui %sign3A_114 : i1 to i32
      %sign3A_116 = arith.subi %sign3A_112, %sign3A_115 : i32
      %sign3A_117 = arith.constant 0 : i32
      %sign3A_118 = arith.cmpi sgt, %jit3A_108, %sign3A_117 : i32
      %sign3A_119 = arith.extui %sign3A_118 : i1 to i32
      %sign3A_120 = arith.constant 0 : i32
      %sign3A_121 = arith.cmpi slt, %jit3A_108, %sign3A_120 : i32
      %sign3A_122 = arith.extui %sign3A_121 : i1 to i32
      %sign3A_123 = arith.subi %sign3A_119, %sign3A_122 : i32
      %ne3A_124 = arith.cmpi ne, %sign3A_116, %sign3A_123 : i32
      %rem3A_125 = arith.remsi %add3A_107, %jit3A_108 : i32
      %ne3A_126 = arith.constant 0 : i32
      %ne3A_127 = arith.cmpi ne, %rem3A_125, %ne3A_126 : i32
      %and3A_128 = arith.andi %ne3A_124, %ne3A_127 : i1
      %sub3A_129 = arith.constant 1 : i32
      %sub3A_130 = arith.subi %div3A_109, %sub3A_129 : i32
      %select_n3A_131 = arith.select %and3A_128, %sub3A_130, %div3A_109 : i32
      %mul3A_132 = arith.constant 1536 : i32
      %mul3A_133 = arith.muli %select_n3A_131, %mul3A_132 : i32
      %jit3A_134 = arith.constant 8 : i32
      %eq3A_135 = arith.constant 0 : i32
      %eq3A_136 = arith.cmpi eq, %jit3A_134, %eq3A_135 : i32
      %jit3A_137 = arith.constant 1 : i32
      %select_n3A_138 = arith.select %eq3A_136, %jit3A_137, %jit3A_134 : i32
      %rem3A_139 = arith.remsi %add3A_107, %select_n3A_138 : i32
      %ne3A_140 = arith.constant 0 : i32
      %ne3A_141 = arith.cmpi ne, %rem3A_139, %ne3A_140 : i32
      %lt3A_142 = arith.constant 0 : i32
      %lt3A_143 = arith.cmpi slt, %rem3A_139, %lt3A_142 : i32
      %lt3A_144 = arith.constant 0 : i32
      %lt3A_145 = arith.cmpi slt, %select_n3A_138, %lt3A_144 : i32
      %ne3A_146 = arith.xori %lt3A_143, %lt3A_145 : i1
      %and3A_147 = arith.andi %ne3A_146, %ne3A_141 : i1
      %add3A_148 = arith.addi %rem3A_139, %select_n3A_138 : i32
      %select_n3A_149 = arith.select %and3A_147, %add3A_148, %rem3A_139 : i32
      %add3A_150 = arith.addi %mul3A_133, %select_n3A_149 : i32
      %scan3A_151 = arith.constant 0 : i32
      %scan3A_152 = arith.constant 0 : i32
      %scan3A_153 = arith.constant 4 : i32
      %scan3A_154 = arith.addi %scan3A_152, %scan3A_153 : i32
      %scan3A_155 = arith.constant 1 : i32
      %scan3A_156 = scf.for %scan3A_331 = %scan3A_152 to %scan3A_154 step %scan3A_155 iter_args(%scan3A_332 = %scan3A_151) -> (i32)  : i32 {
        %mul3A_333 = arith.constant 64 : i32
        %mul3A_334 = arith.muli %min3A_88, %mul3A_333 : i32
        %mul3A_335 = arith.constant 16 : i32
        %mul3A_336 = arith.muli %scan3A_331, %mul3A_335 : i32
        %add3A_337 = arith.addi %mul3A_334, %mul3A_336 : i32
        %get3A = arith.index_cast %add3A_337 : i32 to index
        %get3A_338 = tpu.vector_load %arg5[%get3A] {strides = array<i32>} : memref<4096xi32, #tpu.memory_space<vmem>>, vector<16xi32>,
        %mul3A_339 = arith.constant 8 : i32
        %mul3A_340 = vector.broadcast %mul3A_339 : i32 to vector<16xi32>
        %mul3A_341 = arith.muli %get3A_338, %mul3A_340 : vector<16xi32>
        %add3A_342 = vector.broadcast %add3A_150 : i32 to vector<16xi32>
        %add3A_343 = arith.addi %mul3A_341, %add3A_342 : vector<16xi32>
        %mul3A_344 = arith.constant 16 : i32
        %mul3A_345 = arith.muli %scan3A_331, %mul3A_344 : i32
        %swap3A_346 = arith.index_cast %mul3A_345 : i32 to index
        %swap3A_347 = tpu.vector_load %arg6[%swap3A_346] {strides = array<i32>} : memref<64xi32, #tpu.memory_space<vmem>>, vector<16xi32>,
        tpu.vector_store %arg6[%swap3A_346], %add3A_343 {strides = array<i32>} : memref<64xi32, #tpu.memory_space<vmem>>, vector<16xi32>,
        %scan3A_348 = arith.constant 0 : i32
        scf.yield %scan3A_348 : i32
      }
      %scan3A_157 = arith.constant 4 : i32
      %dma_start3A_158 = arith.constant 0 : i32
      %dma_start3A_159 = arith.constant 0 : i32
      %dma_start3A_160 = tpu.memref_slice %arg7[%select_n3A_106, %dma_start3A_158, %dma_start3A_159] : memref<2x64x128xf32, #tpu.memory_space<vmem>> -> memref<1x64x128xf32, #tpu.memory_space<vmem>>
      %dma_start3A_161 = tpu.memref_squeeze %dma_start3A_160 : memref<1x64x128xf32, #tpu.memory_space<vmem>> -> memref<64x128xf32, #tpu.memory_space<vmem>>
      %dma_start3A_162 = arith.constant 0 : i32
      %dma_start3A_163 = arith.constant 0 : i32
      %dma_start3A_164 = tpu.memref_slice %arg2[%dma_start3A_162, %dma_start3A_163] : memref<393216x128xf32, #tpu.memory_space<hbm>> -> memref<393216x128xf32, #tpu.memory_space<hbm>>
      tpu.enqueue_indirect_dma source(%dma_start3A_164 : memref<393216x128xf32, #tpu.memory_space<hbm>>) target(%dma_start3A_161 : memref<64x128xf32, #tpu.memory_space<vmem>>) offsets(%arg6 : memref<64xi32, #tpu.memory_space<vmem>>) semaphore(%arg10 : memref<!tpu.dma_semaphore, #tpu.memory_space<semaphore_mem>>)
      %broadcast_in_dim3A_165 = arith.constant 0.000000e+00 : f32
      %broadcast_in_dim3A_166 = vector.broadcast %broadcast_in_dim3A_165 : f32 to vector<16xf32>
      %broadcast_in_dim3A_167 = arith.constant 0.000000e+00 : f32
      %broadcast_in_dim3A_168 = vector.broadcast %broadcast_in_dim3A_167 : f32 to vector<16xf32>
      %scan3A_169 = arith.constant 0 : i32
      %scan3A_170 = arith.constant 8 : i32
      %scan3A_171 = arith.addi %scan3A_169, %scan3A_170 : i32
      %scan3A_172 = arith.constant 1 : i32
      %scan3A_173:2 = scf.for %scan3A_331 = %scan3A_169 to %scan3A_171 step %scan3A_172 iter_args(%scan3A_332 = %broadcast_in_dim3A_166, %scan3A_333 = %broadcast_in_dim3A_168) -> (vector<16xf32>, vector<16xf32>)  : i32 {
        %mul3A_334 = arith.constant 16 : i32
        %mul3A_335 = arith.muli %scan3A_331, %mul3A_334 : i32
        %get3A = arith.constant 63 : i32
        %get3A_336 = arith.index_cast %select_n3A_85 : i32 to index
        %get3A_337 = arith.index_cast %get3A : i32 to index
        %get3A_338 = arith.index_cast %mul3A_335 : i32 to index
        %get3A_339 = tpu.vector_load %arg7[%get3A_336, %get3A_337, %get3A_338] {strides = array<i32>} : memref<2x64x128xf32, #tpu.memory_space<vmem>>, vector<16xf32>,
        %max3A_340 = arith.maximumf %scan3A_332, %get3A_339 : vector<16xf32>
        %mul3A_341 = arith.constant 16 : i32
        %mul3A_342 = arith.muli %scan3A_331, %mul3A_341 : i32
        %get3A_343 = arith.constant 0 : i32
        %get3A_344 = arith.index_cast %select_n3A_85 : i32 to index
        %get3A_345 = arith.index_cast %get3A_343 : i32 to index
        %get3A_346 = arith.index_cast %mul3A_342 : i32 to index
        %get3A_347 = tpu.vector_load %arg7[%get3A_344, %get3A_345, %get3A_346] {strides = array<i32>} : memref<2x64x128xf32, #tpu.memory_space<vmem>>, vector<16xf32>,
        %max3A_348 = arith.maximumf %scan3A_333, %get3A_347 : vector<16xf32>
        scf.yield %max3A_340, %max3A_348 : vector<16xf32>, vector<16xf32>
      }
      %scan3A_174 = arith.constant 8 : i32
      %reduce_max3A = arith.constant true
      %reduce_max3A_175 = vector.broadcast %reduce_max3A : i1 to vector<16xi1>
      %reduce_max3A_176 = tpu.scan <max>, %scan3A_173#0 masked %reduce_max3A_175 : vector<16xf32>, vector<16xi1> -> vector<16xf32>
      %reduce_max3A_177 = vector.extract %reduce_max3A_176[15] : f32 from vector<16xf32>
      %broadcast_in_dim3A_178 = vector.broadcast %reduce_max3A_177 : f32 to vector<16xf32>
      %max3A = vector.broadcast %scan3A_61 : f32 to vector<16xf32>
      %max3A_179 = arith.maximumf %broadcast_in_dim3A_178, %max3A : vector<16xf32>
      %reduce_max3A_180 = arith.constant true
      %reduce_max3A_181 = vector.broadcast %reduce_max3A_180 : i1 to vector<16xi1>
      %reduce_max3A_182 = tpu.scan <max>, %scan3A_173#1 masked %reduce_max3A_181 : vector<16xf32>, vector<16xi1> -> vector<16xf32>
      %reduce_max3A_183 = vector.extract %reduce_max3A_182[15] : f32 from vector<16xf32>
      %broadcast_in_dim3A_184 = vector.broadcast %reduce_max3A_183 : f32 to vector<16xf32>
      %broadcast_in_dim3A_185 = arith.constant 0 : i32
      %broadcast_in_dim3A_186 = vector.broadcast %broadcast_in_dim3A_185 : i32 to vector<16xi32>
      %scan3A_187 = arith.constant 0 : i32
      %scan3A_188 = arith.constant 64 : i32
      %scan3A_189 = arith.addi %scan3A_187, %scan3A_188 : i32
      %scan3A_190 = arith.constant 1 : i32
      %scan3A_191 = scf.for %scan3A_331 = %scan3A_187 to %scan3A_189 step %scan3A_190 iter_args(%scan3A_332 = %broadcast_in_dim3A_186) -> (vector<16xi32>)  : i32 {
        %get3A = arith.index_cast %select_n3A_85 : i32 to index
        %get3A_333 = arith.index_cast %scan3A_331 : i32 to index
        %get3A_334 = arith.constant 0 : index
        %get3A_335 = tpu.vector_load %arg7[%get3A, %get3A_333, %get3A_334] {strides = array<i32>} : memref<2x64x128xf32, #tpu.memory_space<vmem>>, vector<16xf32>,
        %ge3A = arith.cmpf oge, %get3A_335, %max3A_179 : vector<16xf32>
        %convert_element_type3A_336 = arith.extui %ge3A : vector<16xi1> to vector<16xi32>
        %broadcast_in_dim3A_337 = arith.constant true
        %broadcast_in_dim3A_338 = vector.broadcast %broadcast_in_dim3A_337 : i1 to vector<16xi1>
        %masked_cumsum3A = tpu.scan <sum>, %convert_element_type3A_336 masked %broadcast_in_dim3A_338 : vector<16xi32>, vector<16xi1> -> vector<16xi32>
        %get3A_339 = arith.index_cast %select_n3A_85 : i32 to index
        %get3A_340 = arith.index_cast %scan3A_331 : i32 to index
        %get3A_341 = arith.constant 16 : index
        %get3A_342 = tpu.vector_load %arg7[%get3A_339, %get3A_340, %get3A_341] {strides = array<i32>} : memref<2x64x128xf32, #tpu.memory_space<vmem>>, vector<16xf32>,
        %ge3A_343 = arith.cmpf oge, %get3A_342, %max3A_179 : vector<16xf32>
        %convert_element_type3A_344 = arith.extui %ge3A_343 : vector<16xi1> to vector<16xi32>
        %broadcast_in_dim3A_345 = arith.constant true
        %broadcast_in_dim3A_346 = vector.broadcast %broadcast_in_dim3A_345 : i1 to vector<16xi1>
        %masked_cumsum3A_347 = tpu.scan <sum>, %convert_element_type3A_344 masked %broadcast_in_dim3A_346 : vector<16xi32>, vector<16xi1> -> vector<16xi32>
        %get3A_348 = arith.index_cast %select_n3A_85 : i32 to index
        %get3A_349 = arith.index_cast %scan3A_331 : i32 to index
        %get3A_350 = arith.constant 32 : index
        %get3A_351 = tpu.vector_load %arg7[%get3A_348, %get3A_349, %get3A_350] {strides = array<i32>} : memref<2x64x128xf32, #tpu.memory_space<vmem>>, vector<16xf32>,
        %ge3A_352 = arith.cmpf oge, %get3A_351, %max3A_179 : vector<16xf32>
        %convert_element_type3A_353 = arith.extui %ge3A_352 : vector<16xi1> to vector<16xi32>
        %broadcast_in_dim3A_354 = arith.constant true
        %broadcast_in_dim3A_355 = vector.broadcast %broadcast_in_dim3A_354 : i1 to vector<16xi1>
        %masked_cumsum3A_356 = tpu.scan <sum>, %convert_element_type3A_353 masked %broadcast_in_dim3A_355 : vector<16xi32>, vector<16xi1> -> vector<16xi32>
        %get3A_357 = arith.index_cast %select_n3A_85 : i32 to index
        %get3A_358 = arith.index_cast %scan3A_331 : i32 to index
        %get3A_359 = arith.constant 48 : index
        %get3A_360 = tpu.vector_load %arg7[%get3A_357, %get3A_358, %get3A_359] {strides = array<i32>} : memref<2x64x128xf32, #tpu.memory_space<vmem>>, vector<16xf32>,
        %ge3A_361 = arith.cmpf oge, %get3A_360, %max3A_179 : vector<16xf32>
        %convert_element_type3A_362 = arith.extui %ge3A_361 : vector<16xi1> to vector<16xi32>
        %broadcast_in_dim3A_363 = arith.constant true
        %broadcast_in_dim3A_364 = vector.broadcast %broadcast_in_dim3A_363 : i1 to vector<16xi1>
        %masked_cumsum3A_365 = tpu.scan <sum>, %convert_element_type3A_362 masked %broadcast_in_dim3A_364 : vector<16xi32>, vector<16xi1> -> vector<16xi32>
        %get3A_366 = arith.index_cast %select_n3A_85 : i32 to index
        %get3A_367 = arith.index_cast %scan3A_331 : i32 to index
        %get3A_368 = arith.constant 64 : index
        %get3A_369 = tpu.vector_load %arg7[%get3A_366, %get3A_367, %get3A_368] {strides = array<i32>} : memref<2x64x128xf32, #tpu.memory_space<vmem>>, vector<16xf32>,
        %ge3A_370 = arith.cmpf oge, %get3A_369, %max3A_179 : vector<16xf32>
        %convert_element_type3A_371 = arith.extui %ge3A_370 : vector<16xi1> to vector<16xi32>
        %broadcast_in_dim3A_372 = arith.constant true
        %broadcast_in_dim3A_373 = vector.broadcast %broadcast_in_dim3A_372 : i1 to vector<16xi1>
        %masked_cumsum3A_374 = tpu.scan <sum>, %convert_element_type3A_371 masked %broadcast_in_dim3A_373 : vector<16xi32>, vector<16xi1> -> vector<16xi32>
        %get3A_375 = arith.index_cast %select_n3A_85 : i32 to index
        %get3A_376 = arith.index_cast %scan3A_331 : i32 to index
        %get3A_377 = arith.constant 80 : index
        %get3A_378 = tpu.vector_load %arg7[%get3A_375, %get3A_376, %get3A_377] {strides = array<i32>} : memref<2x64x128xf32, #tpu.memory_space<vmem>>, vector<16xf32>,
        %ge3A_379 = arith.cmpf oge, %get3A_378, %max3A_179 : vector<16xf32>
        %convert_element_type3A_380 = arith.extui %ge3A_379 : vector<16xi1> to vector<16xi32>
        %broadcast_in_dim3A_381 = arith.constant true
        %broadcast_in_dim3A_382 = vector.broadcast %broadcast_in_dim3A_381 : i1 to vector<16xi1>
        %masked_cumsum3A_383 = tpu.scan <sum>, %convert_element_type3A_380 masked %broadcast_in_dim3A_382 : vector<16xi32>, vector<16xi1> -> vector<16xi32>
        %get3A_384 = arith.index_cast %select_n3A_85 : i32 to index
        %get3A_385 = arith.index_cast %scan3A_331 : i32 to index
        %get3A_386 = arith.constant 96 : index
        %get3A_387 = tpu.vector_load %arg7[%get3A_384, %get3A_385, %get3A_386] {strides = array<i32>} : memref<2x64x128xf32, #tpu.memory_space<vmem>>, vector<16xf32>,
        %ge3A_388 = arith.cmpf oge, %get3A_387, %max3A_179 : vector<16xf32>
        %convert_element_type3A_389 = arith.extui %ge3A_388 : vector<16xi1> to vector<16xi32>
        %broadcast_in_dim3A_390 = arith.constant true
        %broadcast_in_dim3A_391 = vector.broadcast %broadcast_in_dim3A_390 : i1 to vector<16xi1>
        %masked_cumsum3A_392 = tpu.scan <sum>, %convert_element_type3A_389 masked %broadcast_in_dim3A_391 : vector<16xi32>, vector<16xi1> -> vector<16xi32>
        %get3A_393 = arith.index_cast %select_n3A_85 : i32 to index
        %get3A_394 = arith.index_cast %scan3A_331 : i32 to index
        %get3A_395 = arith.constant 112 : index
        %get3A_396 = tpu.vector_load %arg7[%get3A_393, %get3A_394, %get3A_395] {strides = array<i32>} : memref<2x64x128xf32, #tpu.memory_space<vmem>>, vector<16xf32>,
        %ge3A_397 = arith.cmpf oge, %get3A_396, %max3A_179 : vector<16xf32>
        %convert_element_type3A_398 = arith.extui %ge3A_397 : vector<16xi1> to vector<16xi32>
        %broadcast_in_dim3A_399 = arith.constant true
        %broadcast_in_dim3A_400 = vector.broadcast %broadcast_in_dim3A_399 : i1 to vector<16xi1>
        %masked_cumsum3A_401 = tpu.scan <sum>, %convert_element_type3A_398 masked %broadcast_in_dim3A_400 : vector<16xi32>, vector<16xi1> -> vector<16xi32>
        %add3A_402 = arith.addi %scan3A_332, %masked_cumsum3A : vector<16xi32>
        %sub3A_403 = arith.constant 1 : i32
        %sub3A_404 = vector.broadcast %sub3A_403 : i32 to vector<16xi32>
        %sub3A_405 = arith.subi %add3A_402, %sub3A_404 : vector<16xi32>
        tpu.vector_store_idx %arg8[%sub3A_405], %get3A_335 masked %ge3A : memref<8256xf32, #tpu.memory_space<vmem>>[vector<16xi32>], vector<16xf32>, vector<16xi1>
        %all_reduce_population_count3A = tpu.all_reduce %ge3A {dim = 0 : i64, kind = #tpu.reduction_kind<sum>} : vector<16xi1> -> vector<16xi32>
        %add3A_406 = arith.addi %scan3A_332, %all_reduce_population_count3A : vector<16xi32>
        %add3A_407 = arith.addi %add3A_406, %masked_cumsum3A_347 : vector<16xi32>
        %sub3A_408 = arith.constant 1 : i32
        %sub3A_409 = vector.broadcast %sub3A_408 : i32 to vector<16xi32>
        %sub3A_410 = arith.subi %add3A_407, %sub3A_409 : vector<16xi32>
        tpu.vector_store_idx %arg8[%sub3A_410], %get3A_342 masked %ge3A_343 : memref<8256xf32, #tpu.memory_space<vmem>>[vector<16xi32>], vector<16xf32>, vector<16xi1>
        %all_reduce_population_count3A_411 = tpu.all_reduce %ge3A_343 {dim = 0 : i64, kind = #tpu.reduction_kind<sum>} : vector<16xi1> -> vector<16xi32>
        %add3A_412 = arith.addi %add3A_406, %all_reduce_population_count3A_411 : vector<16xi32>
        %add3A_413 = arith.addi %add3A_412, %masked_cumsum3A_356 : vector<16xi32>
        %sub3A_414 = arith.constant 1 : i32
        %sub3A_415 = vector.broadcast %sub3A_414 : i32 to vector<16xi32>
        %sub3A_416 = arith.subi %add3A_413, %sub3A_415 : vector<16xi32>
        tpu.vector_store_idx %arg8[%sub3A_416], %get3A_351 masked %ge3A_352 : memref<8256xf32, #tpu.memory_space<vmem>>[vector<16xi32>], vector<16xf32>, vector<16xi1>
        %all_reduce_population_count3A_417 = tpu.all_reduce %ge3A_352 {dim = 0 : i64, kind = #tpu.reduction_kind<sum>} : vector<16xi1> -> vector<16xi32>
        %add3A_418 = arith.addi %add3A_412, %all_reduce_population_count3A_417 : vector<16xi32>
        %add3A_419 = arith.addi %add3A_418, %masked_cumsum3A_365 : vector<16xi32>
        %sub3A_420 = arith.constant 1 : i32
        %sub3A_421 = vector.broadcast %sub3A_420 : i32 to vector<16xi32>
        %sub3A_422 = arith.subi %add3A_419, %sub3A_421 : vector<16xi32>
        tpu.vector_store_idx %arg8[%sub3A_422], %get3A_360 masked %ge3A_361 : memref<8256xf32, #tpu.memory_space<vmem>>[vector<16xi32>], vector<16xf32>, vector<16xi1>
        %all_reduce_population_count3A_423 = tpu.all_reduce %ge3A_361 {dim = 0 : i64, kind = #tpu.reduction_kind<sum>} : vector<16xi1> -> vector<16xi32>
        %add3A_424 = arith.addi %add3A_418, %all_reduce_population_count3A_423 : vector<16xi32>
        %add3A_425 = arith.addi %add3A_424, %masked_cumsum3A_374 : vector<16xi32>
        %sub3A_426 = arith.constant 1 : i32
        %sub3A_427 = vector.broadcast %sub3A_426 : i32 to vector<16xi32>
        %sub3A_428 = arith.subi %add3A_425, %sub3A_427 : vector<16xi32>
        tpu.vector_store_idx %arg8[%sub3A_428], %get3A_369 masked %ge3A_370 : memref<8256xf32, #tpu.memory_space<vmem>>[vector<16xi32>], vector<16xf32>, vector<16xi1>
        %all_reduce_population_count3A_429 = tpu.all_reduce %ge3A_370 {dim = 0 : i64, kind = #tpu.reduction_kind<sum>} : vector<16xi1> -> vector<16xi32>
        %add3A_430 = arith.addi %add3A_424, %all_reduce_population_count3A_429 : vector<16xi32>
        %add3A_431 = arith.addi %add3A_430, %masked_cumsum3A_383 : vector<16xi32>
        %sub3A_432 = arith.constant 1 : i32
        %sub3A_433 = vector.broadcast %sub3A_432 : i32 to vector<16xi32>
        %sub3A_434 = arith.subi %add3A_431, %sub3A_433 : vector<16xi32>
        tpu.vector_store_idx %arg8[%sub3A_434], %get3A_378 masked %ge3A_379 : memref<8256xf32, #tpu.memory_space<vmem>>[vector<16xi32>], vector<16xf32>, vector<16xi1>
        %all_reduce_population_count3A_435 = tpu.all_reduce %ge3A_379 {dim = 0 : i64, kind = #tpu.reduction_kind<sum>} : vector<16xi1> -> vector<16xi32>
        %add3A_436 = arith.addi %add3A_430, %all_reduce_population_count3A_435 : vector<16xi32>
        %add3A_437 = arith.addi %add3A_436, %masked_cumsum3A_392 : vector<16xi32>
        %sub3A_438 = arith.constant 1 : i32
        %sub3A_439 = vector.broadcast %sub3A_438 : i32 to vector<16xi32>
        %sub3A_440 = arith.subi %add3A_437, %sub3A_439 : vector<16xi32>
        tpu.vector_store_idx %arg8[%sub3A_440], %get3A_387 masked %ge3A_388 : memref<8256xf32, #tpu.memory_space<vmem>>[vector<16xi32>], vector<16xf32>, vector<16xi1>
        %all_reduce_population_count3A_441 = tpu.all_reduce %ge3A_388 {dim = 0 : i64, kind = #tpu.reduction_kind<sum>} : vector<16xi1> -> vector<16xi32>
        %add3A_442 = arith.addi %add3A_436, %all_reduce_population_count3A_441 : vector<16xi32>
        %add3A_443 = arith.addi %add3A_442, %masked_cumsum3A_401 : vector<16xi32>
        %sub3A_444 = arith.constant 1 : i32
        %sub3A_445 = vector.broadcast %sub3A_444 : i32 to vector<16xi32>
        %sub3A_446 = arith.subi %add3A_443, %sub3A_445 : vector<16xi32>
        tpu.vector_store_idx %arg8[%sub3A_446], %get3A_396 masked %ge3A_397 : memref<8256xf32, #tpu.memory_space<vmem>>[vector<16xi32>], vector<16xf32>, vector<16xi1>
        %all_reduce_population_count3A_447 = tpu.all_reduce %ge3A_397 {dim = 0 : i64, kind = #tpu.reduction_kind<sum>} : vector<16xi1> -> vector<16xi32>
        %add3A_448 = arith.addi %add3A_442, %all_reduce_population_count3A_447 : vector<16xi32>
        scf.yield %add3A_448 : vector<16xi32>
      }
      %scan3A_192 = arith.constant 64 : i32
      %reduce_sum3A = arith.constant true
      %reduce_sum3A_193 = vector.broadcast %reduce_sum3A : i1 to vector<16xi1>
      %reduce_sum3A_194 = tpu.scan <sum>, %scan3A_191 masked %reduce_sum3A_193 : vector<16xi32>, vector<16xi1> -> vector<16xi32>
      %reduce_sum3A_195 = vector.extract %reduce_sum3A_194[15] : i32 from vector<16xi32>
      %jit3A_196 = arith.constant 16 : i32
      %div3A_197 = arith.divsi %reduce_sum3A_195, %jit3A_196 : i32
      %sign3A_198 = arith.constant 0 : i32
      %sign3A_199 = arith.cmpi sgt, %reduce_sum3A_195, %sign3A_198 : i32
      %sign3A_200 = arith.extui %sign3A_199 : i1 to i32
      %sign3A_201 = arith.constant 0 : i32
      %sign3A_202 = arith.cmpi slt, %reduce_sum3A_195, %sign3A_201 : i32
      %sign3A_203 = arith.extui %sign3A_202 : i1 to i32
      %sign3A_204 = arith.subi %sign3A_200, %sign3A_203 : i32
      %sign3A_205 = arith.constant 0 : i32
      %sign3A_206 = arith.cmpi sgt, %jit3A_196, %sign3A_205 : i32
      %sign3A_207 = arith.extui %sign3A_206 : i1 to i32
      %sign3A_208 = arith.constant 0 : i32
      %sign3A_209 = arith.cmpi slt, %jit3A_196, %sign3A_208 : i32
      %sign3A_210 = arith.extui %sign3A_209 : i1 to i32
      %sign3A_211 = arith.subi %sign3A_207, %sign3A_210 : i32
      %ne3A_212 = arith.cmpi ne, %sign3A_204, %sign3A_211 : i32
      %rem3A_213 = arith.remsi %reduce_sum3A_195, %jit3A_196 : i32
      %ne3A_214 = arith.constant 0 : i32
      %ne3A_215 = arith.cmpi ne, %rem3A_213, %ne3A_214 : i32
      %and3A_216 = arith.andi %ne3A_212, %ne3A_215 : i1
      %sub3A_217 = arith.constant 1 : i32
      %sub3A_218 = arith.subi %div3A_197, %sub3A_217 : i32
      %select_n3A_219 = arith.select %and3A_216, %sub3A_218, %div3A_197 : i32
      %broadcast_in_dim3A_220 = arith.constant 0.000000e+00 : f32
      %broadcast_in_dim3A_221 = vector.broadcast %broadcast_in_dim3A_220 : f32 to vector<16xf32>
      %add3A_222 = arith.constant 0 : i32
      %add3A_223 = arith.addi %select_n3A_219, %add3A_222 : i32
      %swap3A = arith.index_cast %add3A_223 : i32 to index
      %swap3A_224 = tpu.vector_load %arg8[%swap3A] {strides = array<i32>} : memref<8256xf32, #tpu.memory_space<vmem>>, vector<16xf32>,
      tpu.vector_store %arg8[%swap3A], %broadcast_in_dim3A_221 {strides = array<i32>} : memref<8256xf32, #tpu.memory_space<vmem>>, vector<16xf32>,
      %broadcast_in_dim3A_225 = arith.constant 0.000000e+00 : f32
      %broadcast_in_dim3A_226 = vector.broadcast %broadcast_in_dim3A_225 : f32 to vector<16xf32>
      %add3A_227 = arith.constant 16 : i32
      %add3A_228 = arith.addi %select_n3A_219, %add3A_227 : i32
      %swap3A_229 = arith.index_cast %add3A_228 : i32 to index
      %swap3A_230 = tpu.vector_load %arg8[%swap3A_229] {strides = array<i32>} : memref<8256xf32, #tpu.memory_space<vmem>>, vector<16xf32>,
      tpu.vector_store %arg8[%swap3A_229], %broadcast_in_dim3A_226 {strides = array<i32>} : memref<8256xf32, #tpu.memory_space<vmem>>, vector<16xf32>,
      %broadcast_in_dim3A_231 = arith.constant 0.000000e+00 : f32
      %broadcast_in_dim3A_232 = vector.broadcast %broadcast_in_dim3A_231 : f32 to vector<16xf32>
      %add3A_233 = arith.constant 32 : i32
      %add3A_234 = arith.addi %select_n3A_219, %add3A_233 : i32
      %swap3A_235 = arith.index_cast %add3A_234 : i32 to index
      %swap3A_236 = tpu.vector_load %arg8[%swap3A_235] {strides = array<i32>} : memref<8256xf32, #tpu.memory_space<vmem>>, vector<16xf32>,
      tpu.vector_store %arg8[%swap3A_235], %broadcast_in_dim3A_232 {strides = array<i32>} : memref<8256xf32, #tpu.memory_space<vmem>>, vector<16xf32>,
      %broadcast_in_dim3A_237 = arith.constant 0.000000e+00 : f32
      %broadcast_in_dim3A_238 = vector.broadcast %broadcast_in_dim3A_237 : f32 to vector<16xf32>
      %add3A_239 = arith.constant 48 : i32
      %add3A_240 = arith.addi %select_n3A_219, %add3A_239 : i32
      %swap3A_241 = arith.index_cast %add3A_240 : i32 to index
      %swap3A_242 = tpu.vector_load %arg8[%swap3A_241] {strides = array<i32>} : memref<8256xf32, #tpu.memory_space<vmem>>, vector<16xf32>,
      tpu.vector_store %arg8[%swap3A_241], %broadcast_in_dim3A_238 {strides = array<i32>} : memref<8256xf32, #tpu.memory_space<vmem>>, vector<16xf32>,
      %add3A_243 = arith.constant 63 : i32
      %add3A_244 = arith.addi %select_n3A_219, %add3A_243 : i32
      %jit3A_245 = arith.constant 64 : i32
      %div3A_246 = arith.divsi %add3A_244, %jit3A_245 : i32
      %sign3A_247 = arith.constant 0 : i32
      %sign3A_248 = arith.cmpi sgt, %add3A_244, %sign3A_247 : i32
      %sign3A_249 = arith.extui %sign3A_248 : i1 to i32
      %sign3A_250 = arith.constant 0 : i32
      %sign3A_251 = arith.cmpi slt, %add3A_244, %sign3A_250 : i32
      %sign3A_252 = arith.extui %sign3A_251 : i1 to i32
      %sign3A_253 = arith.subi %sign3A_249, %sign3A_252 : i32
      %sign3A_254 = arith.constant 0 : i32
      %sign3A_255 = arith.cmpi sgt, %jit3A_245, %sign3A_254 : i32
      %sign3A_256 = arith.extui %sign3A_255 : i1 to i32
      %sign3A_257 = arith.constant 0 : i32
      %sign3A_258 = arith.cmpi slt, %jit3A_245, %sign3A_257 : i32
      %sign3A_259 = arith.extui %sign3A_258 : i1 to i32
      %sign3A_260 = arith.subi %sign3A_256, %sign3A_259 : i32
      %ne3A_261 = arith.cmpi ne, %sign3A_253, %sign3A_260 : i32
      %rem3A_262 = arith.remsi %add3A_244, %jit3A_245 : i32
      %ne3A_263 = arith.constant 0 : i32
      %ne3A_264 = arith.cmpi ne, %rem3A_262, %ne3A_263 : i32
      %and3A_265 = arith.andi %ne3A_261, %ne3A_264 : i1
      %sub3A_266 = arith.constant 1 : i32
      %sub3A_267 = arith.subi %div3A_246, %sub3A_266 : i32
      %select_n3A_268 = arith.select %and3A_265, %sub3A_267, %div3A_246 : i32
      %bitcast3A = vector.bitcast %max3A_179 : vector<16xf32> to vector<16xi32>
      %bitcast3A_269 = vector.bitcast %broadcast_in_dim3A_184 : vector<16xf32> to vector<16xi32>
      %add3A_270 = arith.constant 1 : i32
      %add3A_271 = vector.broadcast %add3A_270 : i32 to vector<16xi32>
      %add3A_272 = arith.addi %bitcast3A_269, %add3A_271 : vector<16xi32>
      %add3A_273 = arith.constant 1 : i32
      %add3A_274 = vector.broadcast %add3A_273 : i32 to vector<16xi32>
      %add3A_275 = arith.addi %bitcast3A, %add3A_274 : vector<16xi32>
      %max3A_276 = arith.maxsi %add3A_272, %add3A_275 : vector<16xi32>
      %scan3A_277 = arith.constant 0 : i32
      %scan3A_278 = arith.constant 31 : i32
      %scan3A_279 = arith.addi %scan3A_277, %scan3A_278 : i32
      %scan3A_280 = arith.constant 1 : i32
      %scan3A_281:2 = scf.for %scan3A_331 = %scan3A_277 to %scan3A_279 step %scan3A_280 iter_args(%scan3A_332 = %bitcast3A, %scan3A_333 = %max3A_276) -> (vector<16xi32>, vector<16xi32>)  : i32 {
        %sub3A_334 = arith.subi %scan3A_333, %scan3A_332 : vector<16xi32>
        %shift_right_logical3A = arith.constant 1 : i32
        %shift_right_logical3A_335 = vector.broadcast %shift_right_logical3A : i32 to vector<16xi32>
        %shift_right_logical3A_336 = arith.shrui %sub3A_334, %shift_right_logical3A_335 : vector<16xi32>
        %add3A_337 = arith.addi %scan3A_332, %shift_right_logical3A_336 : vector<16xi32>
        %broadcast_in_dim3A_338 = arith.constant 0 : i32
        %broadcast_in_dim3A_339 = vector.broadcast %broadcast_in_dim3A_338 : i32 to vector<16xi32>
        %while3A = arith.constant 0 : i32
        %while3A_340 = arith.subi %select_n3A_268, %while3A : i32
        %while3A_341 = arith.addi %while3A, %while3A_340 : i32
        %while3A_342 = arith.constant 1 : i32
        %while3A_343 = arith.divsi %while3A_340, %while3A_342 : i32
        %while3A_344 = arith.muli %while3A_343, %while3A_342 : i32
        %while3A_345 = arith.addi %while3A, %while3A_344 : i32
        %while3A_346 = arith.constant 1 : i32
        %while3A_347 = scf.for %while3A_354 = %while3A to %while3A_345 step %while3A_346 iter_args(%while3A_355 = %broadcast_in_dim3A_339) -> (vector<16xi32>)  : i32 {
          %mul3A_356 = arith.constant 64 : i32
          %mul3A_357 = arith.muli %while3A_354, %mul3A_356 : i32
          %add3A_358 = arith.constant 0 : i32
          %add3A_359 = arith.addi %mul3A_357, %add3A_358 : i32
          %get3A = arith.index_cast %add3A_359 : i32 to index
          %get3A_360 = tpu.vector_load %arg8[%get3A] {strides = array<i32>} : memref<8256xf32, #tpu.memory_space<vmem>>, vector<16xf32>,
          %bitcast3A_361 = vector.bitcast %get3A_360 : vector<16xf32> to vector<16xi32>
          %ge3A_362 = arith.cmpi sge, %bitcast3A_361, %add3A_337 : vector<16xi32>
          %all_reduce_population_count3A = tpu.all_reduce %ge3A_362 {dim = 0 : i64, kind = #tpu.reduction_kind<sum>} : vector<16xi1> -> vector<16xi32>
          %add3A_363 = arith.addi %while3A_355, %all_reduce_population_count3A : vector<16xi32>
          %mul3A_364 = arith.constant 64 : i32
          %mul3A_365 = arith.muli %while3A_354, %mul3A_364 : i32
          %add3A_366 = arith.constant 16 : i32
          %add3A_367 = arith.addi %mul3A_365, %add3A_366 : i32
          %get3A_368 = arith.index_cast %add3A_367 : i32 to index
          %get3A_369 = tpu.vector_load %arg8[%get3A_368] {strides = array<i32>} : memref<8256xf32, #tpu.memory_space<vmem>>, vector<16xf32>,
          %bitcast3A_370 = vector.bitcast %get3A_369 : vector<16xf32> to vector<16xi32>
          %ge3A_371 = arith.cmpi sge, %bitcast3A_370, %add3A_337 : vector<16xi32>
          %all_reduce_population_count3A_372 = tpu.all_reduce %ge3A_371 {dim = 0 : i64, kind = #tpu.reduction_kind<sum>} : vector<16xi1> -> vector<16xi32>
          %add3A_373 = arith.addi %add3A_363, %all_reduce_population_count3A_372 : vector<16xi32>
          %mul3A_374 = arith.constant 64 : i32
          %mul3A_375 = arith.muli %while3A_354, %mul3A_374 : i32
          %add3A_376 = arith.constant 32 : i32
          %add3A_377 = arith.addi %mul3A_375, %add3A_376 : i32
          %get3A_378 = arith.index_cast %add3A_377 : i32 to index
          %get3A_379 = tpu.vector_load %arg8[%get3A_378] {strides = array<i32>} : memref<8256xf32, #tpu.memory_space<vmem>>, vector<16xf32>,
          %bitcast3A_380 = vector.bitcast %get3A_379 : vector<16xf32> to vector<16xi32>
          %ge3A_381 = arith.cmpi sge, %bitcast3A_380, %add3A_337 : vector<16xi32>
          %all_reduce_population_count3A_382 = tpu.all_reduce %ge3A_381 {dim = 0 : i64, kind = #tpu.reduction_kind<sum>} : vector<16xi1> -> vector<16xi32>
          %add3A_383 = arith.addi %add3A_373, %all_reduce_population_count3A_382 : vector<16xi32>
          %mul3A_384 = arith.constant 64 : i32
          %mul3A_385 = arith.muli %while3A_354, %mul3A_384 : i32
          %add3A_386 = arith.constant 48 : i32
          %add3A_387 = arith.addi %mul3A_385, %add3A_386 : i32
          %get3A_388 = arith.index_cast %add3A_387 : i32 to index
          %get3A_389 = tpu.vector_load %arg8[%get3A_388] {strides = array<i32>} : memref<8256xf32, #tpu.memory_space<vmem>>, vector<16xf32>,
          %bitcast3A_390 = vector.bitcast %get3A_389 : vector<16xf32> to vector<16xi32>
          %ge3A_391 = arith.cmpi sge, %bitcast3A_390, %add3A_337 : vector<16xi32>
          %all_reduce_population_count3A_392 = tpu.all_reduce %ge3A_391 {dim = 0 : i64, kind = #tpu.reduction_kind<sum>} : vector<16xi1> -> vector<16xi32>
          %add3A_393 = arith.addi %add3A_383, %all_reduce_population_count3A_392 : vector<16xi32>
          scf.yield %add3A_393 : vector<16xi32>
        }
        %while3A_348 = arith.constant 1 : i32
        %while3A_349 = scf.for %while3A_354 = %while3A_345 to %while3A_341 step %while3A_348 iter_args(%while3A_355 = %while3A_347) -> (vector<16xi32>)  : i32 {
          %mul3A_356 = arith.constant 64 : i32
          %mul3A_357 = arith.muli %while3A_354, %mul3A_356 : i32
          %add3A_358 = arith.constant 0 : i32
          %add3A_359 = arith.addi %mul3A_357, %add3A_358 : i32
          %get3A = arith.index_cast %add3A_359 : i32 to index
          %get3A_360 = tpu.vector_load %arg8[%get3A] {strides = array<i32>} : memref<8256xf32, #tpu.memory_space<vmem>>, vector<16xf32>,
          %bitcast3A_361 = vector.bitcast %get3A_360 : vector<16xf32> to vector<16xi32>
          %ge3A_362 = arith.cmpi sge, %bitcast3A_361, %add3A_337 : vector<16xi32>
          %all_reduce_population_count3A = tpu.all_reduce %ge3A_362 {dim = 0 : i64, kind = #tpu.reduction_kind<sum>} : vector<16xi1> -> vector<16xi32>
          %add3A_363 = arith.addi %while3A_355, %all_reduce_population_count3A : vector<16xi32>
          %mul3A_364 = arith.constant 64 : i32
          %mul3A_365 = arith.muli %while3A_354, %mul3A_364 : i32
          %add3A_366 = arith.constant 16 : i32
          %add3A_367 = arith.addi %mul3A_365, %add3A_366 : i32
          %get3A_368 = arith.index_cast %add3A_367 : i32 to index
          %get3A_369 = tpu.vector_load %arg8[%get3A_368] {strides = array<i32>} : memref<8256xf32, #tpu.memory_space<vmem>>, vector<16xf32>,
          %bitcast3A_370 = vector.bitcast %get3A_369 : vector<16xf32> to vector<16xi32>
          %ge3A_371 = arith.cmpi sge, %bitcast3A_370, %add3A_337 : vector<16xi32>
          %all_reduce_population_count3A_372 = tpu.all_reduce %ge3A_371 {dim = 0 : i64, kind = #tpu.reduction_kind<sum>} : vector<16xi1> -> vector<16xi32>
          %add3A_373 = arith.addi %add3A_363, %all_reduce_population_count3A_372 : vector<16xi32>
          %mul3A_374 = arith.constant 64 : i32
          %mul3A_375 = arith.muli %while3A_354, %mul3A_374 : i32
          %add3A_376 = arith.constant 32 : i32
          %add3A_377 = arith.addi %mul3A_375, %add3A_376 : i32
          %get3A_378 = arith.index_cast %add3A_377 : i32 to index
          %get3A_379 = tpu.vector_load %arg8[%get3A_378] {strides = array<i32>} : memref<8256xf32, #tpu.memory_space<vmem>>, vector<16xf32>,
          %bitcast3A_380 = vector.bitcast %get3A_379 : vector<16xf32> to vector<16xi32>
          %ge3A_381 = arith.cmpi sge, %bitcast3A_380, %add3A_337 : vector<16xi32>
          %all_reduce_population_count3A_382 = tpu.all_reduce %ge3A_381 {dim = 0 : i64, kind = #tpu.reduction_kind<sum>} : vector<16xi1> -> vector<16xi32>
          %add3A_383 = arith.addi %add3A_373, %all_reduce_population_count3A_382 : vector<16xi32>
          %mul3A_384 = arith.constant 64 : i32
          %mul3A_385 = arith.muli %while3A_354, %mul3A_384 : i32
          %add3A_386 = arith.constant 48 : i32
          %add3A_387 = arith.addi %mul3A_385, %add3A_386 : i32
          %get3A_388 = arith.index_cast %add3A_387 : i32 to index
          %get3A_389 = tpu.vector_load %arg8[%get3A_388] {strides = array<i32>} : memref<8256xf32, #tpu.memory_space<vmem>>, vector<16xf32>,
          %bitcast3A_390 = vector.bitcast %get3A_389 : vector<16xf32> to vector<16xi32>
          %ge3A_391 = arith.cmpi sge, %bitcast3A_390, %add3A_337 : vector<16xi32>
          %all_reduce_population_count3A_392 = tpu.all_reduce %ge3A_391 {dim = 0 : i64, kind = #tpu.reduction_kind<sum>} : vector<16xi1> -> vector<16xi32>
          %add3A_393 = arith.addi %add3A_383, %all_reduce_population_count3A_392 : vector<16xi32>
          scf.yield %add3A_393 : vector<16xi32>
        }
        %ge3A = arith.constant 64 : i32
        %ge3A_350 = vector.broadcast %ge3A : i32 to vector<16xi32>
        %ge3A_351 = arith.cmpi sge, %while3A_349, %ge3A_350 : vector<16xi32>
        %select_n3A_352 = arith.select %ge3A_351, %add3A_337, %scan3A_332 : vector<16xi1>, vector<16xi32>
        %select_n3A_353 = arith.select %ge3A_351, %scan3A_333, %add3A_337 : vector<16xi1>, vector<16xi32>
        scf.yield %select_n3A_352, %select_n3A_353 : vector<16xi32>, vector<16xi32>
      }
      %scan3A_282 = arith.constant 31 : i32
      %bitcast3A_283 = vector.bitcast %scan3A_281#0 : vector<16xi32> to vector<16xf32>
      %max3A_284 = vector.broadcast %scan3A_61 : f32 to vector<16xf32>
      %max3A_285 = arith.maximumf %bitcast3A_283, %max3A_284 : vector<16xf32>
      %jit3A_286 = arith.constant 16 : i32
      %eq3A_287 = arith.constant 0 : i32
      %eq3A_288 = arith.cmpi eq, %jit3A_286, %eq3A_287 : i32
      %jit3A_289 = arith.constant 1 : i32
      %select_n3A_290 = arith.select %eq3A_288, %jit3A_289, %jit3A_286 : i32
      %rem3A_291 = arith.remsi %scan3A_68, %select_n3A_290 : i32
      %ne3A_292 = arith.constant 0 : i32
      %ne3A_293 = arith.cmpi ne, %rem3A_291, %ne3A_292 : i32
      %lt3A_294 = arith.constant 0 : i32
      %lt3A_295 = arith.cmpi slt, %rem3A_291, %lt3A_294 : i32
      %lt3A_296 = arith.constant 0 : i32
      %lt3A_297 = arith.cmpi slt, %select_n3A_290, %lt3A_296 : i32
      %ne3A_298 = arith.xori %lt3A_295, %lt3A_297 : i1
      %and3A_299 = arith.andi %ne3A_298, %ne3A_293 : i1
      %add3A_300 = arith.addi %rem3A_291, %select_n3A_290 : i32
      %select_n3A_301 = arith.select %and3A_299, %add3A_300, %rem3A_291 : i32
      %eq3A_302 = vector.broadcast %select_n3A_301 : i32 to vector<16xi32>
      %eq3A_303 = arith.cmpi eq, %iota3A, %eq3A_302 : vector<16xi32>
      %select_n3A_304 = arith.select %eq3A_303, %max3A_285, %scan3A_69 : vector<16xi1>, vector<16xf32>
      %jit3A_305 = arith.constant 16 : i32
      %eq3A_306 = arith.constant 0 : i32
      %eq3A_307 = arith.cmpi eq, %jit3A_305, %eq3A_306 : i32
      %jit3A_308 = arith.constant 1 : i32
      %select_n3A_309 = arith.select %eq3A_307, %jit3A_308, %jit3A_305 : i32
      %rem3A_310 = arith.remsi %scan3A_68, %select_n3A_309 : i32
      %ne3A_311 = arith.constant 0 : i32
      %ne3A_312 = arith.cmpi ne, %rem3A_310, %ne3A_311 : i32
      %lt3A_313 = arith.constant 0 : i32
      %lt3A_314 = arith.cmpi slt, %rem3A_310, %lt3A_313 : i32
      %lt3A_315 = arith.constant 0 : i32
      %lt3A_316 = arith.cmpi slt, %select_n3A_309, %lt3A_315 : i32
      %ne3A_317 = arith.xori %lt3A_314, %lt3A_316 : i1
      %and3A_318 = arith.andi %ne3A_317, %ne3A_312 : i1
      %add3A_319 = arith.addi %rem3A_310, %select_n3A_309 : i32
      %select_n3A_320 = arith.select %and3A_318, %add3A_319, %rem3A_310 : i32
      %eq3A_321 = arith.constant 15 : i32
      %eq3A_322 = arith.cmpi eq, %select_n3A_320, %eq3A_321 : i32
      %convert_element_type3A = arith.extui %eq3A_322 : i1 to i32
      %cond3A = arith.constant 0 : i32
      %cond3A_323 = arith.cmpi ne, %convert_element_type3A, %cond3A : i32
      scf.if %cond3A_323 {
        %jit3A_331 = arith.constant 16 : i32
        %div3A_332 = arith.divsi %scan3A_68, %jit3A_331 : i32
        %sign3A_333 = arith.constant 0 : i32
        %sign3A_334 = arith.cmpi sgt, %scan3A_68, %sign3A_333 : i32
        %sign3A_335 = arith.extui %sign3A_334 : i1 to i32
        %sign3A_336 = arith.constant 0 : i32
        %sign3A_337 = arith.cmpi slt, %scan3A_68, %sign3A_336 : i32
        %sign3A_338 = arith.extui %sign3A_337 : i1 to i32
        %sign3A_339 = arith.subi %sign3A_335, %sign3A_338 : i32
        %sign3A_340 = arith.constant 0 : i32
        %sign3A_341 = arith.cmpi sgt, %jit3A_331, %sign3A_340 : i32
        %sign3A_342 = arith.extui %sign3A_341 : i1 to i32
        %sign3A_343 = arith.constant 0 : i32
        %sign3A_344 = arith.cmpi slt, %jit3A_331, %sign3A_343 : i32
        %sign3A_345 = arith.extui %sign3A_344 : i1 to i32
        %sign3A_346 = arith.subi %sign3A_342, %sign3A_345 : i32
        %ne3A_347 = arith.cmpi ne, %sign3A_339, %sign3A_346 : i32
        %rem3A_348 = arith.remsi %scan3A_68, %jit3A_331 : i32
        %ne3A_349 = arith.constant 0 : i32
        %ne3A_350 = arith.cmpi ne, %rem3A_348, %ne3A_349 : i32
        %and3A_351 = arith.andi %ne3A_347, %ne3A_350 : i1
        %sub3A_352 = arith.constant 1 : i32
        %sub3A_353 = arith.subi %div3A_332, %sub3A_352 : i32
        %select_n3A_354 = arith.select %and3A_351, %sub3A_353, %div3A_332 : i32
        %mul3A_355 = arith.constant 16 : i32
        %mul3A_356 = arith.muli %select_n3A_354, %mul3A_355 : i32
        %swap3A_357 = arith.index_cast %mul3A_356 : i32 to index
        %swap3A_358 = tpu.vector_load %arg9[%swap3A_357] {strides = array<i32>} : memref<64xf32, #tpu.memory_space<vmem>>, vector<16xf32>,
        tpu.vector_store %arg9[%swap3A_357], %select_n3A_304 {strides = array<i32>} : memref<64xf32, #tpu.memory_space<vmem>>, vector<16xf32>,
      } else {
      }
      %dma_wait3A_324 = arith.constant 0 : i32
      %dma_wait3A_325 = arith.constant 0 : i32
      %dma_wait3A_326 = tpu.memref_slice %arg7[%select_n3A_106, %dma_wait3A_324, %dma_wait3A_325] : memref<2x64x128xf32, #tpu.memory_space<vmem>> -> memref<1x64x128xf32, #tpu.memory_space<vmem>>
      %dma_wait3A_327 = tpu.memref_squeeze %dma_wait3A_326 : memref<1x64x128xf32, #tpu.memory_space<vmem>> -> memref<64x128xf32, #tpu.memory_space<vmem>>
      %dma_wait3A_328 = arith.constant 0 : i32
      %dma_wait3A_329 = arith.constant 0 : i32
      %dma_wait3A_330 = tpu.memref_slice %arg2[%dma_wait3A_328, %dma_wait3A_329] : memref<393216x128xf32, #tpu.memory_space<hbm>> -> memref<393216x128xf32, #tpu.memory_space<hbm>>
      tpu.wait_indirect_dma semaphore(%arg10 : memref<!tpu.dma_semaphore, #tpu.memory_space<semaphore_mem>>) src(%dma_wait3A_330 : memref<393216x128xf32, #tpu.memory_space<hbm>>) dst(%dma_wait3A_327 : memref<64x128xf32, #tpu.memory_space<vmem>>)
      scf.yield %select_n3A_304 : vector<16xf32>
    }
    %scan3A_67 = arith.constant 64 : i32
    "tpu.region"() ({
      %run_scoped3A = tpu.sem_alloc : memref<!tpu.dma_semaphore, #tpu.memory_space<semaphore_mem>>
      %dma_start3A_68 = tpu.memref_slice %arg4[%mul3A_2] : memref<2048xf32, #tpu.memory_space<hbm>> -> memref<64xf32, #tpu.memory_space<hbm>>
      %dma_start3A_69 = tpu.memref_slice %arg4[%mul3A_2] : memref<2048xf32, #tpu.memory_space<hbm>> -> memref<64xf32, #tpu.memory_space<hbm>>
      tpu.enqueue_dma source(%arg9 : memref<64xf32, #tpu.memory_space<vmem>>) target(%dma_start3A_69 : memref<64xf32, #tpu.memory_space<hbm>>) target_semaphore(%run_scoped3A : memref<!tpu.dma_semaphore, #tpu.memory_space<semaphore_mem>>)
      %dma_wait3A_70 = tpu.memref_slice %arg4[%mul3A_2] : memref<2048xf32, #tpu.memory_space<hbm>> -> memref<64xf32, #tpu.memory_space<hbm>>
      %dma_wait3A_71 = tpu.memref_slice %arg4[%mul3A_2] : memref<2048xf32, #tpu.memory_space<hbm>> -> memref<64xf32, #tpu.memory_space<hbm>>
      tpu.wait_dma2 semaphore(%run_scoped3A : memref<!tpu.dma_semaphore, #tpu.memory_space<semaphore_mem>>) src(%arg9 : memref<64xf32, #tpu.memory_space<vmem>>) dst(%dma_wait3A_71 : memref<64xf32, #tpu.memory_space<hbm>>)
      tpu.yield
    }) : () -> ()
    return
  }
}

module attributes {stable_mosaic.version = 14 : i64} {
  func.func @_encode_body(%arg0: i32, %arg1: i32, %arg2: memref<2048x768xf32, #tpu.memory_space<vmem>>, %arg3: memref<512x768xf32, #tpu.memory_space<vmem>>, %arg4: memref<1x512xf32, #tpu.memory_space<vmem>>, %arg5: memref<1x768xf32, #tpu.memory_space<vmem>>, %arg6: memref<256x512xf32, #tpu.memory_space<vmem>>, %arg7: memref<32x4x8x128xf32, #tpu.memory_space<vmem>>, %arg8: memref<1x256x4xf32, #tpu.memory_space<vmem>>) attributes {dimension_semantics = [#tpu.dimension_semantics<arbitrary>, #tpu.dimension_semantics<arbitrary>], iteration_bounds = array<i64: 48, 8>, scalar_prefetch = 0 : i64, scratch_operands = 0 : i64, tpu.core_type = #tpu.core_type<tc>, window_params = [{pipeline_mode = #tpu.pipeline_mode<synchronous>, transform_indices = @transform_0, window_bounds = array<i64: 2048, 768>}, {transform_indices = @transform_1, window_bounds = array<i64: 512, 768>}, {transform_indices = @transform_2, window_bounds = array<i64: 1, 512>}, {pipeline_mode = #tpu.pipeline_mode<synchronous>, transform_indices = @transform_3, window_bounds = array<i64: 1, 768>}, {transform_indices = @transform_4, window_bounds = array<i64: 256, 512>}, {transform_indices = @transform_5, window_bounds = array<i64: 32, 4, 8, 128>}, {transform_indices = @transform_6, window_bounds = array<i64: 1, 256, 4>}]} {
    %mul3A = arith.constant 256 : i32
    %mul3A_0 = arith.muli %arg1, %mul3A : i32
    %get3A = arith.index_cast %mul3A_0 : i32 to index
    %get3A_1 = arith.constant 0 : index
    %get3A_2 = vector.load %arg2[%get3A, %get3A_1] : memref<2048x768xf32, #tpu.memory_space<vmem>>, vector<256x768xf32>
    %get3A_3 = arith.constant 0 : index
    %get3A_4 = arith.constant 0 : index
    %get3A_5 = vector.load %arg5[%get3A_3, %get3A_4] : memref<1x768xf32, #tpu.memory_space<vmem>>, vector<1x768xf32>
    %sub3A = vector.broadcast %get3A_5 : vector<1x768xf32> to vector<256x768xf32>
    %sub3A_6 = arith.subf %get3A_2, %sub3A : vector<256x768xf32>
    %get3A_7 = arith.constant 0 : index
    %get3A_8 = arith.constant 0 : index
    %get3A_9 = vector.load %arg3[%get3A_7, %get3A_8] : memref<512x768xf32, #tpu.memory_space<vmem>>, vector<512x768xf32>
    %dot_general3A = arith.constant dense<0.000000e+00> : vector<256x512xf32>
    %dot_general3A_10 = tpu.matmul %sub3A_6, %get3A_9, %dot_general3A {dimension_numbers = #tpu.dot_dimension_numbers<[1], [1], [0], [0], [0, 0, 1, 0], [], []>, transpose_lhs_hint = false} : vector<256x768xf32>, vector<512x768xf32>, vector<256x512xf32> -> vector<256x512xf32>
    %get3A_11 = arith.constant 0 : index
    %get3A_12 = arith.constant 0 : index
    %get3A_13 = vector.load %arg4[%get3A_11, %get3A_12] : memref<1x512xf32, #tpu.memory_space<vmem>>, vector<1x512xf32>
    %add3A = vector.broadcast %get3A_13 : vector<1x512xf32> to vector<256x512xf32>
    %add3A_14 = arith.addf %dot_general3A_10, %add3A : vector<256x512xf32>
    %max3A = arith.constant 0.000000e+00 : f32
    %max3A_15 = vector.broadcast %max3A : f32 to vector<256x512xf32>
    %max3A_16 = arith.maximumf %add3A_14, %max3A_15 : vector<256x512xf32>
    %swap3A = arith.constant 0 : index
    %swap3A_17 = arith.constant 0 : index
    %swap3A_18 = vector.load %arg6[%swap3A, %swap3A_17] : memref<256x512xf32, #tpu.memory_space<vmem>>, vector<256x512xf32>
    tpu.vector_store %arg6[%swap3A, %swap3A_17], %max3A_16 {strides = array<i32>} : memref<256x512xf32, #tpu.memory_space<vmem>>, vector<256x512xf32>,
    %slice3A = vector.extract_strided_slice %max3A_16 {offsets = [0, 0], sizes = [256, 128], strides = [1, 1]} : vector<256x512xf32> to vector<256x128xf32>
    %reshape3A = vector.shape_cast %slice3A : vector<256x128xf32> to vector<32x8x128xf32>
    %swap3A_19 = arith.constant 0 : index
    %swap3A_20 = arith.constant 0 : index
    %swap3A_21 = arith.constant 0 : index
    %swap3A_22 = arith.constant 0 : index
    %swap3A_23 = vector.load %arg7[%swap3A_19, %swap3A_20, %swap3A_21, %swap3A_22] : memref<32x4x8x128xf32, #tpu.memory_space<vmem>>, vector<32x1x8x128xf32>
    %swap3A_24 = vector.shape_cast %swap3A_23 : vector<32x1x8x128xf32> to vector<32x8x128xf32>
    %swap3A_25 = vector.shape_cast %reshape3A : vector<32x8x128xf32> to vector<32x1x8x128xf32>
    tpu.vector_store %arg7[%swap3A_19, %swap3A_20, %swap3A_21, %swap3A_22], %swap3A_25 {strides = array<i32>} : memref<32x4x8x128xf32, #tpu.memory_space<vmem>>, vector<32x1x8x128xf32>,
    %slice3A_26 = vector.extract_strided_slice %max3A_16 {offsets = [0, 128], sizes = [256, 128], strides = [1, 1]} : vector<256x512xf32> to vector<256x128xf32>
    %reshape3A_27 = vector.shape_cast %slice3A_26 : vector<256x128xf32> to vector<32x8x128xf32>
    %swap3A_28 = arith.constant 0 : index
    %swap3A_29 = arith.constant 1 : index
    %swap3A_30 = arith.constant 0 : index
    %swap3A_31 = arith.constant 0 : index
    %swap3A_32 = vector.load %arg7[%swap3A_28, %swap3A_29, %swap3A_30, %swap3A_31] : memref<32x4x8x128xf32, #tpu.memory_space<vmem>>, vector<32x1x8x128xf32>
    %swap3A_33 = vector.shape_cast %swap3A_32 : vector<32x1x8x128xf32> to vector<32x8x128xf32>
    %swap3A_34 = vector.shape_cast %reshape3A_27 : vector<32x8x128xf32> to vector<32x1x8x128xf32>
    tpu.vector_store %arg7[%swap3A_28, %swap3A_29, %swap3A_30, %swap3A_31], %swap3A_34 {strides = array<i32>} : memref<32x4x8x128xf32, #tpu.memory_space<vmem>>, vector<32x1x8x128xf32>,
    %slice3A_35 = vector.extract_strided_slice %max3A_16 {offsets = [0, 256], sizes = [256, 128], strides = [1, 1]} : vector<256x512xf32> to vector<256x128xf32>
    %reshape3A_36 = vector.shape_cast %slice3A_35 : vector<256x128xf32> to vector<32x8x128xf32>
    %swap3A_37 = arith.constant 0 : index
    %swap3A_38 = arith.constant 2 : index
    %swap3A_39 = arith.constant 0 : index
    %swap3A_40 = arith.constant 0 : index
    %swap3A_41 = vector.load %arg7[%swap3A_37, %swap3A_38, %swap3A_39, %swap3A_40] : memref<32x4x8x128xf32, #tpu.memory_space<vmem>>, vector<32x1x8x128xf32>
    %swap3A_42 = vector.shape_cast %swap3A_41 : vector<32x1x8x128xf32> to vector<32x8x128xf32>
    %swap3A_43 = vector.shape_cast %reshape3A_36 : vector<32x8x128xf32> to vector<32x1x8x128xf32>
    tpu.vector_store %arg7[%swap3A_37, %swap3A_38, %swap3A_39, %swap3A_40], %swap3A_43 {strides = array<i32>} : memref<32x4x8x128xf32, #tpu.memory_space<vmem>>, vector<32x1x8x128xf32>,
    %slice3A_44 = vector.extract_strided_slice %max3A_16 {offsets = [0, 384], sizes = [256, 128], strides = [1, 1]} : vector<256x512xf32> to vector<256x128xf32>
    %reshape3A_45 = vector.shape_cast %slice3A_44 : vector<256x128xf32> to vector<32x8x128xf32>
    %swap3A_46 = arith.constant 0 : index
    %swap3A_47 = arith.constant 3 : index
    %swap3A_48 = arith.constant 0 : index
    %swap3A_49 = arith.constant 0 : index
    %swap3A_50 = vector.load %arg7[%swap3A_46, %swap3A_47, %swap3A_48, %swap3A_49] : memref<32x4x8x128xf32, #tpu.memory_space<vmem>>, vector<32x1x8x128xf32>
    %swap3A_51 = vector.shape_cast %swap3A_50 : vector<32x1x8x128xf32> to vector<32x8x128xf32>
    %swap3A_52 = vector.shape_cast %reshape3A_45 : vector<32x8x128xf32> to vector<32x1x8x128xf32>
    tpu.vector_store %arg7[%swap3A_46, %swap3A_47, %swap3A_48, %swap3A_49], %swap3A_52 {strides = array<i32>} : memref<32x4x8x128xf32, #tpu.memory_space<vmem>>, vector<32x1x8x128xf32>,
    %reshape3A_53 = vector.shape_cast %max3A_16 : vector<256x512xf32> to vector<256x4x128xf32>
    %reduce_max3A = arith.constant dense<0xFF800000> : vector<256x4xf32>
    %reduce_max3A_54 = vector.multi_reduction <maximumf>, %reshape3A_53, %reduce_max3A [2] : vector<256x4x128xf32> to vector<256x4xf32>
    %swap3A_55 = arith.constant 0 : index
    %swap3A_56 = arith.constant 0 : index
    %swap3A_57 = arith.constant 0 : index
    %swap3A_58 = vector.load %arg8[%swap3A_55, %swap3A_56, %swap3A_57] : memref<1x256x4xf32, #tpu.memory_space<vmem>>, vector<1x256x4xf32>
    %swap3A_59 = vector.shape_cast %swap3A_58 : vector<1x256x4xf32> to vector<256x4xf32>
    %swap3A_60 = vector.shape_cast %reduce_max3A_54 : vector<256x4xf32> to vector<1x256x4xf32>
    tpu.vector_store %arg8[%swap3A_55, %swap3A_56, %swap3A_57], %swap3A_60 {strides = array<i32>} : memref<1x256x4xf32, #tpu.memory_space<vmem>>, vector<1x256x4xf32>,
    return
  }
  func.func @transform_0(%arg0: i32, %arg1: i32) -> (i32, i32) {
    %c0_i32 = arith.constant 0 : i32
    %c0_i32_0 = arith.constant 0 : i32
    %c0_i32_1 = arith.constant 0 : i32
    return %c0_i32, %c0_i32_0 : i32, i32
  }
  func.func @transform_1(%arg0: i32, %arg1: i32) -> (i32, i32) {
    %c0_i32 = arith.constant 0 : i32
    %c0_i32_0 = arith.constant 0 : i32
    return %arg0, %c0_i32 : i32, i32
  }
  func.func @transform_2(%arg0: i32, %arg1: i32) -> (i32, i32) {
    %c0_i32 = arith.constant 0 : i32
    %c0_i32_0 = arith.constant 0 : i32
    return %c0_i32, %arg0 : i32, i32
  }
  func.func @transform_3(%arg0: i32, %arg1: i32) -> (i32, i32) {
    %c0_i32 = arith.constant 0 : i32
    %c0_i32_0 = arith.constant 0 : i32
    %c0_i32_1 = arith.constant 0 : i32
    return %c0_i32, %c0_i32_0 : i32, i32
  }
  func.func @transform_4(%arg0: i32, %arg1: i32) -> (i32, i32) {
    %c0_i32 = arith.constant 0 : i32
    return %arg1, %arg0 : i32, i32
  }
  func.func @transform_5(%arg0: i32, %arg1: i32) -> (i32, i32, i32, i32) {
    %c0_i32 = arith.constant 0 : i32
    %c0_i32_0 = arith.constant 0 : i32
    %c0_i32_1 = arith.constant 0 : i32
    return %arg1, %arg0, %c0_i32, %c0_i32_0 : i32, i32, i32, i32
  }
  func.func @transform_6(%arg0: i32, %arg1: i32) -> (i32, i32, i32) {
    %c0_i32 = arith.constant 0 : i32
    %c0_i32_0 = arith.constant 0 : i32
    return %arg0, %arg1, %c0_i32 : i32, i32, i32
  }
}

module attributes {stable_mosaic.version = 14 : i64} {
  func.func @_extract_body(%arg0: memref<2048x192xf32, #tpu.memory_space<vmem>>, %arg1: memref<2048x64xi32, #tpu.memory_space<vmem>>, %arg2: memref<2048x1xf32, #tpu.memory_space<vmem>>, %arg3: memref<2048x192xf32, #tpu.memory_space<vmem>>) attributes {dimension_semantics = [], scalar_prefetch = 0 : i64, scratch_operands = 1 : i64, tpu.core_type = #tpu.core_type<tc>} {
    %get3A = arith.constant 0 : index
    %get3A_0 = arith.constant 0 : index
    %get3A_1 = vector.load %arg0[%get3A, %get3A_0] : memref<2048x192xf32, #tpu.memory_space<vmem>>, vector<2048x192xf32>
    %swap3A = arith.constant 0 : index
    %swap3A_2 = arith.constant 0 : index
    %swap3A_3 = vector.load %arg3[%swap3A, %swap3A_2] : memref<2048x192xf32, #tpu.memory_space<vmem>>, vector<2048x192xf32>
    tpu.vector_store %arg3[%swap3A, %swap3A_2], %get3A_1 {strides = array<i32>} : memref<2048x192xf32, #tpu.memory_space<vmem>>, vector<2048x192xf32>,
    %iota3A = tpu.iota {dimensions = array<i32: 1>} : vector<2048x192xi32>
    %iota3A_4 = tpu.iota {dimensions = array<i32: 1>} : vector<2048x64xi32>
    %broadcast_in_dim3A = arith.constant 0 : i32
    %broadcast_in_dim3A_5 = vector.broadcast %broadcast_in_dim3A : i32 to vector<2048x64xi32>
    %swap3A_6 = arith.constant 0 : index
    %swap3A_7 = arith.constant 0 : index
    %swap3A_8 = vector.load %arg1[%swap3A_6, %swap3A_7] : memref<2048x64xi32, #tpu.memory_space<vmem>>, vector<2048x64xi32>
    tpu.vector_store %arg1[%swap3A_6, %swap3A_7], %broadcast_in_dim3A_5 {strides = array<i32>} : memref<2048x64xi32, #tpu.memory_space<vmem>>, vector<2048x64xi32>,
    %scan3A = arith.constant 0 : i32
    %scan3A_9 = arith.constant 64 : i32
    %scan3A_10 = arith.addi %scan3A, %scan3A_9 : i32
    %scan3A_11 = arith.constant 1 : i32
    scf.for %scan3A_13 = %scan3A to %scan3A_10 step %scan3A_11  : i32 {
      %get3A_14 = arith.constant 0 : index
      %get3A_15 = arith.constant 0 : index
      %get3A_16 = vector.load %arg3[%get3A_14, %get3A_15] : memref<2048x192xf32, #tpu.memory_space<vmem>>, vector<2048x192xf32>
      %reduce_max3A = arith.constant dense<0xFF800000> : vector<2048xf32>
      %reduce_max3A_17 = vector.multi_reduction <maximumf>, %get3A_16, %reduce_max3A [1] : vector<2048x192xf32> to vector<2048xf32>
      %broadcast_in_dim3A_18 = vector.shape_cast %reduce_max3A_17 : vector<2048xf32> to vector<2048x1xf32>
      %eq3A = vector.broadcast %broadcast_in_dim3A_18 : vector<2048x1xf32> to vector<2048x192xf32>
      %eq3A_19 = arith.cmpf oeq, %get3A_16, %eq3A : vector<2048x192xf32>
      %jit3A = arith.constant 100000 : i32
      %broadcast_in_dim3A_20 = vector.broadcast %jit3A : i32 to vector<2048x192xi32>
      %select_n3A = arith.select %eq3A_19, %iota3A, %broadcast_in_dim3A_20 : vector<2048x192xi1>, vector<2048x192xi32>
      %reduce_min3A = arith.constant dense<2147483647> : vector<2048xi32>
      %reduce_min3A_21 = vector.multi_reduction <minsi>, %select_n3A, %reduce_min3A [1] : vector<2048x192xi32> to vector<2048xi32>
      %broadcast_in_dim3A_22 = vector.shape_cast %reduce_min3A_21 : vector<2048xi32> to vector<2048x1xi32>
      %eq3A_23 = vector.broadcast %broadcast_in_dim3A_22 : vector<2048x1xi32> to vector<2048x192xi32>
      %eq3A_24 = arith.cmpi eq, %iota3A, %eq3A_23 : vector<2048x192xi32>
      %jit3A_25 = arith.constant -1.000000e+00 : f32
      %broadcast_in_dim3A_26 = vector.broadcast %jit3A_25 : f32 to vector<2048x192xf32>
      %select_n3A_27 = arith.select %eq3A_24, %broadcast_in_dim3A_26, %get3A_16 : vector<2048x192xi1>, vector<2048x192xf32>
      %swap3A_28 = arith.constant 0 : index
      %swap3A_29 = arith.constant 0 : index
      %swap3A_30 = vector.load %arg3[%swap3A_28, %swap3A_29] : memref<2048x192xf32, #tpu.memory_space<vmem>>, vector<2048x192xf32>
      tpu.vector_store %arg3[%swap3A_28, %swap3A_29], %select_n3A_27 {strides = array<i32>} : memref<2048x192xf32, #tpu.memory_space<vmem>>, vector<2048x192xf32>,
      %eq3A_31 = vector.broadcast %scan3A_13 : i32 to vector<2048x64xi32>
      %eq3A_32 = arith.cmpi eq, %iota3A_4, %eq3A_31 : vector<2048x64xi32>
      %get3A_33 = arith.constant 0 : index
      %get3A_34 = arith.constant 0 : index
      %get3A_35 = vector.load %arg1[%get3A_33, %get3A_34] : memref<2048x64xi32, #tpu.memory_space<vmem>>, vector<2048x64xi32>
      %broadcast_in_dim3A_36 = vector.shape_cast %broadcast_in_dim3A_22 : vector<2048x1xi32> to vector<2048x1xi32>
      %broadcast_in_dim3A_37 = vector.broadcast %broadcast_in_dim3A_36 : vector<2048x1xi32> to vector<2048x64xi32>
      %select_n3A_38 = arith.select %eq3A_32, %broadcast_in_dim3A_37, %get3A_35 : vector<2048x64xi1>, vector<2048x64xi32>
      %swap3A_39 = arith.constant 0 : index
      %swap3A_40 = arith.constant 0 : index
      %swap3A_41 = vector.load %arg1[%swap3A_39, %swap3A_40] : memref<2048x64xi32, #tpu.memory_space<vmem>>, vector<2048x64xi32>
      tpu.vector_store %arg1[%swap3A_39, %swap3A_40], %select_n3A_38 {strides = array<i32>} : memref<2048x64xi32, #tpu.memory_space<vmem>>, vector<2048x64xi32>,
      %swap3A_42 = arith.constant 0 : index
      %swap3A_43 = arith.constant 0 : index
      %swap3A_44 = vector.load %arg2[%swap3A_42, %swap3A_43] : memref<2048x1xf32, #tpu.memory_space<vmem>>, vector<2048x1xf32>
      tpu.vector_store %arg2[%swap3A_42, %swap3A_43], %broadcast_in_dim3A_18 {strides = array<i32>} : memref<2048x1xf32, #tpu.memory_space<vmem>>, vector<2048x1xf32>,
    }
    %scan3A_12 = arith.constant 64 : i32
    return
  }
}

module attributes {stable_mosaic.version = 14 : i64} {
  func.func @_decode_body(%arg0: i32, %arg1: i32, %arg2: memref<256x512xf32, #tpu.memory_space<vmem>>, %arg3: memref<512x768xbf16, #tpu.memory_space<vmem>>, %arg4: memref<256x1xf32, #tpu.memory_space<vmem>>, %arg5: memref<1x768xf32, #tpu.memory_space<vmem>>, %arg6: memref<2048x768xf32, #tpu.memory_space<vmem>>) attributes {dimension_semantics = [#tpu.dimension_semantics<arbitrary>, #tpu.dimension_semantics<arbitrary>], iteration_bounds = array<i64: 48, 8>, scalar_prefetch = 0 : i64, scratch_operands = 0 : i64, tpu.core_type = #tpu.core_type<tc>, window_params = [{transform_indices = @transform_0, window_bounds = array<i64: 256, 512>}, {transform_indices = @transform_1, window_bounds = array<i64: 512, 768>}, {transform_indices = @transform_2, window_bounds = array<i64: 256, 1>}, {pipeline_mode = #tpu.pipeline_mode<synchronous>, transform_indices = @transform_3, window_bounds = array<i64: 1, 768>}, {pipeline_mode = #tpu.pipeline_mode<synchronous>, transform_indices = @transform_4, window_bounds = array<i64: 2048, 768>}]} {
    %get3A = arith.constant 0 : index
    %get3A_0 = arith.constant 0 : index
    %get3A_1 = vector.load %arg2[%get3A, %get3A_0] : memref<256x512xf32, #tpu.memory_space<vmem>>, vector<256x512xf32>
    %get3A_2 = arith.constant 0 : index
    %get3A_3 = arith.constant 0 : index
    %get3A_4 = vector.load %arg4[%get3A_2, %get3A_3] : memref<256x1xf32, #tpu.memory_space<vmem>>, vector<256x1xf32>
    %ge3A = vector.broadcast %get3A_4 : vector<256x1xf32> to vector<256x512xf32>
    %ge3A_5 = arith.cmpf oge, %get3A_1, %ge3A : vector<256x512xf32>
    %jit3A = arith.constant 0.000000e+00 : f32
    %broadcast_in_dim3A = vector.broadcast %jit3A : f32 to vector<256x512xf32>
    %select_n3A = arith.select %ge3A_5, %get3A_1, %broadcast_in_dim3A : vector<256x512xi1>, vector<256x512xf32>
    %convert_element_type3A = arith.truncf %select_n3A : vector<256x512xf32> to vector<256x512xbf16>
    %get3A_6 = arith.constant 0 : index
    %get3A_7 = arith.constant 0 : index
    %get3A_8 = vector.load %arg3[%get3A_6, %get3A_7] : memref<512x768xbf16, #tpu.memory_space<vmem>>, vector<512x768xbf16>
    %dot_general3A = arith.constant dense<0.000000e+00> : vector<256x768xf32>
    %dot_general3A_9 = tpu.matmul %convert_element_type3A, %get3A_8, %dot_general3A {dimension_numbers = #tpu.dot_dimension_numbers<[1], [0], [0], [1], [0, 0, 1, 1], [], []>, transpose_lhs_hint = false} : vector<256x512xbf16>, vector<512x768xbf16>, vector<256x768xf32> -> vector<256x768xf32>
    %eq3A = arith.constant 0 : i32
    %eq3A_10 = arith.cmpi eq, %arg0, %eq3A : i32
    %convert_element_type3A_11 = arith.extui %eq3A_10 : i1 to i32
    %cond3A = arith.constant 0 : i32
    %cond3A_12 = arith.cmpi ne, %convert_element_type3A_11, %cond3A : i32
    scf.if %cond3A_12 {
      %get3A_17 = arith.constant 0 : index
      %get3A_18 = arith.constant 0 : index
      %get3A_19 = vector.load %arg5[%get3A_17, %get3A_18] : memref<1x768xf32, #tpu.memory_space<vmem>>, vector<1x768xf32>
      %add3A = vector.broadcast %get3A_19 : vector<1x768xf32> to vector<256x768xf32>
      %add3A_20 = arith.addf %dot_general3A_9, %add3A : vector<256x768xf32>
      %mul3A = arith.constant 256 : i32
      %mul3A_21 = arith.muli %arg1, %mul3A : i32
      %swap3A = arith.index_cast %mul3A_21 : i32 to index
      %swap3A_22 = arith.constant 0 : index
      %swap3A_23 = vector.load %arg6[%swap3A, %swap3A_22] : memref<2048x768xf32, #tpu.memory_space<vmem>>, vector<256x768xf32>
      tpu.vector_store %arg6[%swap3A, %swap3A_22], %add3A_20 {strides = array<i32>} : memref<2048x768xf32, #tpu.memory_space<vmem>>, vector<256x768xf32>,
    } else {
    }
    %gt3A = arith.constant 0 : i32
    %gt3A_13 = arith.cmpi sgt, %arg0, %gt3A : i32
    %convert_element_type3A_14 = arith.extui %gt3A_13 : i1 to i32
    %cond3A_15 = arith.constant 0 : i32
    %cond3A_16 = arith.cmpi ne, %convert_element_type3A_14, %cond3A_15 : i32
    scf.if %cond3A_16 {
      %mul3A = arith.constant 256 : i32
      %mul3A_17 = arith.muli %arg1, %mul3A : i32
      %get3A_18 = arith.index_cast %mul3A_17 : i32 to index
      %get3A_19 = arith.constant 0 : index
      %get3A_20 = vector.load %arg6[%get3A_18, %get3A_19] : memref<2048x768xf32, #tpu.memory_space<vmem>>, vector<256x768xf32>
      %add3A = arith.addf %get3A_20, %dot_general3A_9 : vector<256x768xf32>
      %mul3A_21 = arith.constant 256 : i32
      %mul3A_22 = arith.muli %arg1, %mul3A_21 : i32
      %swap3A = arith.index_cast %mul3A_22 : i32 to index
      %swap3A_23 = arith.constant 0 : index
      %swap3A_24 = vector.load %arg6[%swap3A, %swap3A_23] : memref<2048x768xf32, #tpu.memory_space<vmem>>, vector<256x768xf32>
      tpu.vector_store %arg6[%swap3A, %swap3A_23], %add3A {strides = array<i32>} : memref<2048x768xf32, #tpu.memory_space<vmem>>, vector<256x768xf32>,
    } else {
    }
    return
  }
  func.func @transform_0(%arg0: i32, %arg1: i32) -> (i32, i32) {
    %c0_i32 = arith.constant 0 : i32
    return %arg1, %arg0 : i32, i32
  }
  func.func @transform_1(%arg0: i32, %arg1: i32) -> (i32, i32) {
    %c0_i32 = arith.constant 0 : i32
    %c0_i32_0 = arith.constant 0 : i32
    return %arg0, %c0_i32 : i32, i32
  }
  func.func @transform_2(%arg0: i32, %arg1: i32) -> (i32, i32) {
    %c0_i32 = arith.constant 0 : i32
    %c0_i32_0 = arith.constant 0 : i32
    return %arg1, %c0_i32 : i32, i32
  }
  func.func @transform_3(%arg0: i32, %arg1: i32) -> (i32, i32) {
    %c0_i32 = arith.constant 0 : i32
    %c0_i32_0 = arith.constant 0 : i32
    %c0_i32_1 = arith.constant 0 : i32
    return %c0_i32, %c0_i32_0 : i32, i32
  }
  func.func @transform_4(%arg0: i32, %arg1: i32) -> (i32, i32) {
    %c0_i32 = arith.constant 0 : i32
    %c0_i32_0 = arith.constant 0 : i32
    %c0_i32_1 = arith.constant 0 : i32
    return %c0_i32, %c0_i32_0 : i32, i32
  }
}

</mosaic_0001>

<sc_bundles>
// kernel: kernel.10.cloned.1.call-start
scs
__scs_entry_jumppad:
0x0: {  	(pc) =	sbr.rel $0x88, $3  }
0x1: {  	(tag) =	ssettag $0x0;
	lr =	simm.s32 $0x1  }
0x2: {  	[smem:$0x3F9C] =	sst lr;
	_ =	strace $0xD0000000  }
0x3: {  	_ = 	snop  }
0x4: {  	_ = 	snop  }
0x5: {  	_ = 	snop  }
0x6: {  	_ = 	snop  }
0x7: {  	_ = 	snop  }
__scs_overlays_trampoline_lowered:
0x8: {  	[smem:$0x3FAB] =	sst s0  }
0x9: {  	[smem:$0x3FAC] =	sst s1  }
0xa: {  	[smem:$0x3FAD] =	sst s2  }
0xb: {  	[smem:$0x3FAE] =	sst s3  }
0xc: {  	[smem:$0x3FAF] =	sst s4  }
0xd: {  	[smem:$0x3FB0] =	sst s5  }
0xe: {  	[smem:$0x3FB1] =	sst s6  }
0xf: {  	[smem:$0x3FB2] =	sst s7  }
0x10: {  	[smem:$0x3FB3] =	sst s8  }
0x11: {  	[smem:$0x3FB4] =	sst s9;
	s0 =	simm.s32 @!p0 $0x0  }
0x12: {  	s1 =	sld [smem:$0x3F9A];
	s0 =	simm.s32 @p0 $0x1  }
0x13: {  	[smem:$0x3FB5] =	sst s0;
	s0 =	simm.s32 @!p1 $0x0  }
0x14: {  	s2 =	sld [smem:$0x3F99];
	s0 =	simm.s32 @p1 $0x1  }
0x15: {  	[smem:$0x3FB6] =	sst s0;
	s0 =	simm.s32 @!p2 $0x0  }
0x16: {  	s3 =	sld [smem:$0x3FDB];
	s0 =	simm.s32 @p2 $0x1  }
0x17: {  	s4 =	simm.s32 $0x1BF5;
	[smem:$0x3FB8] =	sst s0  }
0x18: {  	s0 =	sld [smem:$0x3F9B];
	_ =	swait.ge [sflag:s4], $0x0  }
0x19: {  	s7 =	sld [smem:$0x3F9C]  }
0x1a: {  	s8 =	sadd.s32 $0xFFFFE003, lr  }
0x1b: {  	s9 =	sadd.s32 $0xFFFFFEF7, lr;
	s5 =	simm.s32 $0xFFFFFFFF;
	p2 =	slt.u32 s8, $0xFFFFF086  }
0x1c: {  	p1 =	slt.u32 s9, $0xF7A;
	s5 =	simm.s32 @!p2 $0x0  }
0x1d: {  	s5 =	simm.s32 @p1 $0x1;
	p0 =	seq.s32 s7, s2  }
0x1e: {  	s7 =	smul.u32 @!p0 $0xF7A, s2;
	p2 =	seq.s32 @!p0 s5, $0x0  }
0x1f: {  	s9 =	smul.u32 $0xF7A, s1;
	s8 =	simm.s32 @!p0 $0x1BF5;
	p2 =	por !p2, p0  }
0x20: {  	[sflag:s8] =	ssyncset.s32 @!p0 $0xFFFFF086;
	s6 =	sadd.s32 @!p0 s3, s7;
	s7 =	simm.s32 @!p0 $0x108  }
0x21: {  	s3 =	sadd.s32 s3, s9;
	s6 =	sadd.s32 @!p0 $0x88, s6;
	s7 =	simm.s32 @p2 $0x1082  }
0x22: {  	[simem:s7], [sflag:s8] =	dma.local @!p0 [hbm:s6], $0xF7A  }
0x23: {  	s9 =	sor.u32 $0xD0000000, s2;
	s6 =	simm.s32 $0x108;
	_ =	swait.ge @!p0 [sflag:s8], $0x0  }
0x24: {  	s3 =	sadd.s32 $0x88, s3;
	s6 =	simm.s32 @!p1 $0x1082;
	[sflag:s4] =	ssyncset.s32 $0xFFFFF086  }
0x25: {  	[simem:s6], [sflag:s4] =	dma.local [hbm:s3], $0xF7A  }
0x26: {  	[smem:$0x3F9C] =	sst s1;
	(tag) =	ssettag s2;
	_ =	strace s9  }
0x27: {  	s1 =	sld [smem:$0x3FAC]  }
0x28: {  	s2 =	sld [smem:$0x3FAD]  }
0x29: {  	s4 =	sld [smem:$0x3FAF]  }
0x2a: {  	p0 =	seq.s32 s5, $0x0;
	s5 =	sld [smem:$0x3FB0]  }
0x2b: {  	s6 =	sld [smem:$0x3FB1]  }
0x2c: {  	s7 =	sld [smem:$0x3FB2]  }
0x2d: {  	s3 =	simm.s32 $0x108;
	s8 =	sld [smem:$0x3FB3]  }
0x2e: {  	s3 =	simm.s32 @!p0 $0x1082;
	s9 =	sld [smem:$0x3FB4]  }
0x2f: {  	lr =	sadd.s32 s0, s3;
	s0 =	sld [smem:$0x3FAB]  }
0x30: {  	s3 =	sld [smem:$0x3FAE]  }
0x31: {  	[smem:$0x3FB7] =	sst s10  }
0x32: {  	s10 =	sld [smem:$0x3FB5];
	_ =	sdelay $0x3  }
0x33: {  	p0 =	seq.s32 s10, $0x1;
	s10 =	sld [smem:$0x3FB7];
	_ =	sdelay $0x3  }
0x34: {  	[smem:$0x3FB7] =	sst s10  }
0x35: {  	s10 =	sld [smem:$0x3FB6];
	_ =	sdelay $0x3  }
0x36: {  	p1 =	seq.s32 s10, $0x1;
	s10 =	sld [smem:$0x3FB7];
	_ =	sdelay $0x3  }
0x37: {  	[smem:$0x3FB7] =	sst s10  }
0x38: {  	s10 =	sld [smem:$0x3FB8]  }
0x39: {  	_ = 	snop;
	(pc) =	sbr.ind lr, $3  }
0x3a: {  	_ = 	snop  }
0x3b: {  	_ = 	snop  }
0x3c: {  	p2 =	seq.s32 s10, $0x1;
	s10 =	sld [smem:$0x3FB7]  }
0x3d: {  	_ =	shalt  }
0x3e: {  	_ =	shalt  }
0x3f: {  	_ =	shalt  }
0x40: {  	_ =	shalt  }
0x41: {  	_ =	shalt  }
0x42: {  	_ =	shalt  }
0x43: {  	_ =	shalt  }
0x44: {  	_ =	shalt  }
0x45: {  	_ =	shalt  }
0x46: {  	_ =	shalt  }
0x47: {  	_ =	shalt  }
0x48: {  	_ =	shalt  }
0x49: {  	_ =	shalt  }
0x4a: {  	_ =	shalt  }
0x4b: {  	_ =	shalt  }
0x4c: {  	_ =	shalt  }
0x4d: {  	_ =	shalt  }
0x4e: {  	_ =	shalt  }
0x4f: {  	_ =	shalt  }
0x50: {  	_ =	shalt  }
0x51: {  	_ =	shalt  }
0x52: {  	_ =	shalt  }
0x53: {  	_ =	shalt  }
0x54: {  	_ =	shalt  }
0x55: {  	_ =	shalt  }
0x56: {  	_ =	shalt  }
0x57: {  	_ =	shalt  }
0x58: {  	_ =	shalt  }
0x59: {  	_ =	shalt  }
0x5a: {  	_ =	shalt  }
0x5b: {  	_ =	shalt  }
0x5c: {  	_ =	shalt  }
0x5d: {  	_ =	shalt  }
0x5e: {  	_ =	shalt  }
0x5f: {  	_ =	shalt  }
0x60: {  	_ =	shalt  }
0x61: {  	_ =	shalt  }
0x62: {  	_ =	shalt  }
0x63: {  	_ =	shalt  }
0x64: {  	_ =	shalt  }
0x65: {  	_ =	shalt  }
0x66: {  	_ =	shalt  }
0x67: {  	_ =	shalt  }
0x68: {  	_ =	shalt  }
0x69: {  	_ =	shalt  }
0x6a: {  	_ =	shalt  }
0x6b: {  	_ =	shalt  }
0x6c: {  	_ =	shalt  }
0x6d: {  	_ =	shalt  }
0x6e: {  	_ =	shalt  }
0x6f: {  	_ =	shalt  }
0x70: {  	_ =	shalt  }
0x71: {  	_ =	shalt  }
0x72: {  	_ =	shalt  }
0x73: {  	_ =	shalt  }
0x74: {  	_ =	shalt  }
0x75: {  	_ =	shalt  }
0x76: {  	_ =	shalt  }
0x77: {  	_ =	shalt  }
0x78: {  	_ =	shalt  }
0x79: {  	_ =	shalt  }
0x7a: {  	_ =	shalt  }
0x7b: {  	_ =	shalt  }
0x7c: {  	_ =	shalt  }
0x7d: {  	_ =	shalt  }
0x7e: {  	_ =	shalt  }
0x7f: {  	_ =	shalt  }
0x80: {  	_ =	shalt  }
0x81: {  	_ =	shalt  }
0x82: {  	_ =	shalt  }
0x83: {  	_ =	shalt  }
0x84: {  	_ =	shalt  }
0x85: {  	_ =	shalt  }
0x86: {  	_ =	shalt  }
0x87: {  	_ =	shalt  }
.Lfunc_end0:
.L_simem_size_0:
called_computation_lowered:
.L_overlay_start_0:
0x88: {  	s2 =	sld [smem:$0x3FD9]  }
0x89: {  	s3 =	sld [smem:$0x3FFE];
	_ =	sdelay $0x1  }
0x8a: {  	s1 =	srdreg.scid  }
0x8b: {  	s0 =	sand.u32 $0x1, s1  }
0x8c: {  	s16 =	sshll.u32 s0, $0xA;
	s2 =	sadd.s32 s3, s2  }
0x8d: {  	s2 =	sadd.s32 s2, s16  }
0x8e: {  	[smem:$0x3FC3] =	sst s2  }
0x8f: {  	_ = 	snop  }
0x90: {  	(tm) =	ssettm $0x1  }
0x91: {  	s17 =	sld [smem:$0x3FFB];
	_ =	sdelay $0x3  }
0x92: {  	_ =	strace s17  }
0x93: {  	s2 =	sld [smem:$0x3FFC];
	_ =	sdelay $0x3  }
0x94: {  	_ =	strace s2  }
0x95: {  	s2 =	sld [smem:$0x3FFD];
	_ =	sdelay $0x3  }
0x96: {  	_ =	strace s2  }
0x97: {  	_ =	strace $0x8FFFFFFF  }
0x98: {  	s18 =	sld [smem:$0x3FDB];
	_ =	sdelay $0x1  }
0x99: {  	s19 =	simm.s32 $_scs_section_size  }
0x9a: {  	s4 =	simm.s32 $_size__tile_overlayer_lowered;
	s5 =	simm.s32 $_tile_overlayer_lowered  }
0x9b: {  	s22 =	simm.s32 $0x1BFF;
	s21 =	sshll.u32 s5, $0x1;
	s2 =	sadd.s32 s19, s18  }
0x9c: {  	s6 =	simm.s32 $0x0;
	s20 =	sshll.u32 s4, $0x1;
	s4 =	sadd.s32 s21, s2  }
0x9d: {  	[timem:s6], [sflag:s22] =	dma.local [hbm:s4], s20  }
0x9e: {  	_ =	swait.ge [sflag:s22], s20  }
0x9f: {  	s3 =	ssub.s32 $0x0, s20;
	[sflag:s22] =	ssyncset.done $0x0  }
0xa0: {  	[sflag:s22] =	ssyncadd.s32 s3;
	_ =	sdelay $0x1  }
0xa1: {  	s23 =	simm.s32 $0x1B8B  }
0xa2: {  	_ =	swait.ge [sflag:s23], $0x1  }
0xa3: {  	[sflag:s23] =	ssyncset.done $0x0  }
0xa4: {  	s25 =	simm.s32 $0x1B8E;
	s24 =	sld [smem:$0x3FFE];
	[sflag:s23] =	ssyncadd.s32 $0xFFFFFFFF  }
0xa5: {  	s26 =	simm.s32 $execute0_lowered;
	[smem:$0x3FD2] =	sst s25  }
0xa6: {  	s4 =	sshll.u32 s26, $0x1;
	_ =	strace $0x80000046;
	[dreg:$0x1] =	wrdreg $0xFFFFFFFF  }
0xa7: {  	s28 =	simm.s32 $_size_execute0_lowered;
	s2 =	sadd.s32 s2, s4;
	[dreg:$0x0] =	wrdreg $0x0  }
0xa8: {  	s4 =	sshll.u32 s28, $0x1;
	[dreg:$0x2] =	wrdreg s2  }
0xa9: {  	[dreg:$0x3] =	wrdreg s4  }
0xaa: {  	[dreg:$0x4] =	wrdreg $0xC0  }
0xab: {  	_ =	task [dreg:s6], $0x5FFFF  }
0xac: {  	[dreg:$0x1] =	wrdreg $0xFFFFFFFF  }
0xad: {  	[dreg:$0x0] =	wrdreg $0x60  }
0xae: {  	[dreg:$0x2] =	wrdreg s24  }
0xaf: {  	[dreg:$0x3] =	wrdreg $0x9  }
0xb0: {  	_ =	task.clear_ibuf [dreg:s6], $0x4FFFF;
	_ =	strace $0x90000046  }
0xb1: {  	s29 =	simm.s32 $0x9;
	_ =	strace $0x80000048  }
0xb2: {  	_ =	swait.ge [sflag:s29], $0x1  }
0xb3: {  	[sflag:s29] =	ssyncadd.s32 $0xFFFFFFFF  }
0xb4: {  	_ =	strace $0x90000048  }
0xb5: {  	_ =	sfence  }
0xb6: {  	s30 =	sld [smem:$0x0];
	_ =	sdelay $0x2  }
0xb7: {  	s31 =	sshll.u32 s1, $0xD;
	s1 =	sshrl.u32 s1, $0x2  }
0xb8: {  	s3 =	sand.u32 $0x4000, s31;
	s1 =	sadd.s32 s1, s30  }
0xb9: {  	s0 =	sor.u32 s3, s0;
	s1 =	sshll.u32 s1, $0x11  }
0xba: {  	s0 =	sor.u32 s1, s0  }
0xbb: {  	s0 =	sadd.s32 $0x8F2B, s0  }
0xbc: {  	[sflag:s0] =	ssyncadd.remote.s32 $0x1  }
0xbd: {  	_ =	sfence.sel $0xFFFF  }
0xbe: {  	[dreg:$0x0] =	wrdreg $0xFFFFFFFF;
	(pc) =	sbr.abs _section_cstart, $3  }
0xbf: {  	[dreg:$0x1] =	wrdreg $0xFFFFFFFF  }
0xc0: {  	_ =	task.clear_ibuf [dreg:s6], $0x2FFFF;
	_ =	strace $0x9FFFFFFF  }
0xc1: {  	(tm) =	ssettm $0x7FFFFFFF  }
tec
execute0_lowered:
.L_overlay_start_1:
0x0: {  	(tag) =	ssettag $0x1  }
0x1: {  	s4 =	rddreg [dreg:$0x0]  }
0x2: {  	s0 =	rddreg [dreg:$0x1]  }
0x3: {  	s2 =	simm.s32 $0x0;
	s3 =	srdreg.scid;
	s1 =	stileid.u32  }
0x4: {  	s11 =	simm.s32 $0x1080;
	s12 =	simm.s32 $0x1;
	s13 =	simm.s32 $0x5080  }
0x5: {  	s14 =	simm.s32 $0x7100;
	s15 =	simm.s32 $0x0;
	[smem:$0x7FF] =	sst s2  }
0x6: {  	s5 =	sand.u32 $0x1, s3;
	s31 =	sshll.u32 s1, $0x1;
	s3 =	sadd.s32 $0x182000, s4  }
0x7: {  	_ =	strace $0x80000047;
	s6 =	sor.u32 s5, s31;
	s5 =	ssub.s32 $0x2, s5  }
.Ltmp0:
0x8: {  	s7 =	sshll.u32 s6, $0x9;
	s8 =	sshll.u32 s6, $0x3;
	(pc) =	sbr.rel .LBB2_1-.Ltmp0, $4  }
0x9: {  	s9 =	sshrl.u32 s5, $0x1;
	s10 =	smul.u32 $0x3000, s6;
	s7 =	sadd.s32 s7, s4  }
0xa: {  	s8 =	sadd.s32 s8, s4;
	s9 =	ssub.s32 s5, s9;
	s4 =	sshll.u32 s6, $0x6  }
0xb: {  	v1 =	vimm.s32 $0x0;
	v2 =	vimm.f32 $0.0e+00;
	s5 =	sadd.s32 $0x2000, s7;
	s6 =	sadd.s32 $0x6000, s8;
	s7 =	smax.u32 s9, $0x1  }
0xc: {  	vm0 =	vmxor vm0, vm0;
	v3 =	vlaneseq.u32;
	s8 =	simm.s32 $0x2;
	s9 =	simm.s32 $0x40;
	v0 =	vmov s10;
	s10 =	simm.s32 $0x1000  }
.LBB2_11:
0xd: {  	s15 =	sadd.s32 $0x1, s15  }
0xe: {  	p0 =	sne.s32 s15, s7  }
.Ltmp1:
0xf: {  	_ = 	snop;
	(pc) =	sbr.rel @!p0 .LBB2_12-.Ltmp1, $4  }
0x10: {  	[hbm4b:s6+s2] =	stream.linear.scatter [tilespmem:s14], [sflag:$0x2], $0x40, $0x38;
	[tilespmem:$0x7180] =	vst v63  }
0x11: {  	_ =	swait.ge [sflag:s8], $0x40  }
0x12: {  	[sflag:s8] =	ssyncset.done $0x0  }
0x13: {  	[sflag:s8] =	ssyncadd.s32 $0xFFFFFFC0  }
.LBB2_1:
0x14: {  	[tilespmem:s2], [sflag:$0x2] =	stream.linear.gather [hbm4b:s5+s2], $0x1000, $0x38;
	[tilespmem:$0x7180] =	vst v63  }
0x15: {  	_ =	swait.ge [sflag:s8], $0x1000  }
0x16: {  	[sflag:s8] =	ssyncset.done $0x0  }
0x17: {  	[sflag:s8] =	ssyncadd.s32 $0xFFFFF000  }
0x18: {  	v4 =	vld [tilespmem:$0x0]  }
0x19: {  	v5 =	vld [tilespmem:$0x10]  }
0x1a: {  	v6 =	vld [tilespmem:$0x20]  }
0x1b: {  	v7 =	vld [tilespmem:$0x30];
	_ =	sdelay $0x1  }
0x1c: {  	v4 =	vshll.u32 v4, $0x3  }
0x1d: {  	v5 =	vshll.u32 v5, $0x3;
	v4 =	vadd.s32 v0, v4  }
0x1e: {  	[tilespmem:$0x1000] =	vst v4;
	v4 =	vadd.s32 v0, v5;
	v5 =	vshll.u32 v6, $0x3  }
0x1f: {  	[tilespmem:$0x1010] =	vst v4;
	v4 =	vadd.s32 v0, v5;
	v5 =	vshll.u32 v7, $0x3  }
0x20: {  	[tilespmem:$0x1020] =	vst v4;
	v4 =	vadd.s32 v0, v5  }
.Ltmp2:
0x21: {  	[tilespmem:$0x1030] =	vst v4;
	(pc) =	sbr.rel .LBB2_2-.Ltmp2, $4  }
0x22: {  	[tilespmem:s11], [sflag:$0x1] =	stream.indirect.gather [hbm4b:s3+s9], $0x80, s10, s9, $0xb8;
	[tilespmem:$0x7180] =	vst v63  }
0x23: {  	_ =	swait.ge [sflag:s12], $0x2000  }
0x24: {  	[sflag:s12] =	ssyncset.done $0x0  }
0x25: {  	p0 =	por $0x0, $0x0;
	s17 =	simm.s32 $0x0;
	v4 =	vimm.f32 $0.0e+00;
	[sflag:s12] =	ssyncadd.s32 $0xFFFFE000  }
.LBB2_10:
0x26: {  	s18 =	sand.u32 $0xF, s17  }
0x27: {  	v6 =	vmov s18  }
0x28: {  	v5 =	vmax.f32 v5, $9.999999910e-38;
	p1 =	sne.s32 s18, $0xF;
	vm1 =	veq.s32 v6, v3  }
0x29: {  	s17 =	sand.u32 @!p1 $0x30, s17;
	v4 =	vsel vm1, v5, v4  }
0x2a: {  	[tilespmem:s17+$0x7100] =	vst @!p1 v4;
	p1 =	sne.s32 s16, $0x40  }
.Ltmp3:
0x2b: {  	_ = 	snop;
	(pc) =	sbr.rel @!p1 .LBB2_11-.Ltmp3, $4  }
0x2c: {  	_ = 	snop  }
0x2d: {  	_ =	swait.ge [sflag:s12], $0x2000  }
0x2e: {  	[sflag:s12] =	ssyncset.done $0x0  }
0x2f: {  	p0 =	por !p0, !p0;
	s17 =	smov.u32 s16;
	[sflag:s12] =	ssyncadd.s32 $0xFFFFE000  }
.LBB2_2:
0x30: {  	s16 =	sadd.s32 $0x1, s17  }
0x31: {  	s18 =	smin.u32 s16, $0x3F  }
0x32: {  	s19 =	sshll.u32 s18, $0x6  }
0x33: {  	v5 =	vld [tilespmem:s19+$0x0]  }
0x34: {  	s20 =	sor.u32 s4, s18  }
0x35: {  	s20 =	sshrl.u32 s20, $0x3  }
0x36: {  	s20 =	smul.u32 $0x600, s20  }
0x37: {  	s18 =	sand.u32 $0x7, s18  }
0x38: {  	s18 =	sor.u32 s18, s20;
	v5 =	vshll.u32 v5, $0x3  }
0x39: {  	v5 =	vadd.s32 s18, v5  }
0x3a: {  	[tilespmem:$0x1000] =	vst v5  }
0x3b: {  	v5 =	vld [tilespmem:s19+$0x10];
	_ =	sdelay $0x4  }
0x3c: {  	v5 =	vshll.u32 v5, $0x3  }
0x3d: {  	v5 =	vadd.s32 s18, v5  }
0x3e: {  	[tilespmem:$0x1010] =	vst v5  }
0x3f: {  	v5 =	vld [tilespmem:s19+$0x20];
	_ =	sdelay $0x4  }
0x40: {  	v5 =	vshll.u32 v5, $0x3  }
0x41: {  	v5 =	vadd.s32 s18, v5  }
0x42: {  	[tilespmem:$0x1020] =	vst v5  }
0x43: {  	v5 =	vld [tilespmem:s19+$0x30];
	_ =	sdelay $0x4  }
0x44: {  	s28 =	sshll.u32 s16, $0xD;
	v5 =	vshll.u32 v5, $0x3  }
0x45: {  	s29 =	sand.u32 $0x2000, s28;
	v5 =	vadd.s32 s18, v5  }
0x46: {  	s30 =	sshll.u32 s17, $0xD;
	s18 =	sor.u32 $0x1080, s29;
	[tilespmem:$0x1030] =	vst v5  }
0x47: {  	[tilespmem:s18], [sflag:$0x1] =	stream.indirect.gather [hbm4b:s3+s9], $0x80, s10, s9, $0xb8;
	[tilespmem:$0x7180] =	vst v63  }
0x48: {  	s18 =	sand.u32 $0x2000, s30  }
0x49: {  	v5 =	vld [tilespmem:s18+$0x3000]  }
0x4a: {  	v6 =	vld [tilespmem:s18+$0x3010]  }
0x4b: {  	v7 =	vld [tilespmem:s18+$0x3020]  }
0x4c: {  	v8 =	vld [tilespmem:s18+$0x3030]  }
0x4d: {  	v9 =	vld [tilespmem:s18+$0x3040]  }
0x4e: {  	v10 =	vld [tilespmem:s18+$0x3050];
	v5 =	vmax.f32 v5, $0.0e+00  }
0x4f: {  	v5 =	vmax.f32 v5, v6;
	v6 =	vld [tilespmem:s18+$0x3060]  }
0x50: {  	v5 =	vmax.f32 v5, v7;
	v7 =	vld [tilespmem:s18+$0x3070]  }
0x51: {  	v5 =	vmax.f32 v5, v8  }
0x52: {  	s19 =	simm.s32 $0x1;
	v5 =	vmax.f32 v5, v9  }
0x53: {  	s19 =	simm.s32 @!p0 $0x0;
	v5 =	vmax.f32 v5, v10  }
0x54: {  	s19 =	sshll.u32 s19, $0xD;
	v5 =	vmax.f32 v5, v6  }
0x55: {  	s19 =	sor.u32 $0x10C0, s19;
	v5 =	vmax.f32 v5, v7  }
0x56: {  	v12 =	vmov s19;
	(xrf0) =	vmax.scan.msk.f32 $0xffff, v5;
	_ =	sdelay $0x3  }
0x57: {  	s31 =	simm.s32 $0x0  }
0x58: {  	v27 =	vld.idx.msk [tilespmem:v12+s31+$0xFFFFFFC0 ss:$0x1], $0xffff  }
0x59: {  	v13 =	vld.idx.msk [tilespmem:v12+s31+$0xFFFFFFD0 ss:$0x1], $0xffff;
	v5, _, _ =	vpop (xrf0)  }
0x5a: {  	v11 =	vld.idx.msk [tilespmem:v12+s31+$0xFFFFFFE0 ss:$0x1], $0xffff;
	v5 =	vmax.f32 v5, $9.999999910e-38  }
0x5b: {  	v8 =	vld.idx.msk [tilespmem:v12+s31+$0x0 ss:$0x1], $0xffff;
	v5 =	vbroadcast v5, $0xF  }
0x5c: {  	v9 =	vld.idx.msk [tilespmem:v12+s31+$0xFFFFFFF0 ss:$0x1], $0xffff  }
0x5d: {  	v10 =	vld.idx.msk [tilespmem:v12+s31+$0x20 ss:$0x1], $0xffff;
	vm8 =	vge.f32 v27, v5  }
0x5e: {  	v7 =	vld.idx.msk [tilespmem:v12+s31+$0x10 ss:$0x1], $0xffff;
	v14 =	vsel vm8, $0x1, v1  }
0x5f: {  	v6 =	vld.idx.msk [tilespmem:v12+s31+$0x30 ss:$0x1], $0xffff;
	(xrf0) =	vadd.scan.msk.s32 $0xffff, v14  }
0x60: {  	vm1 =	vge.f32 v13, v5  }
0x61: {  	v17 =	vimm.s32 $0x0;
	vm2 =	vge.f32 v11, v5;
	v15 =	vsel vm1, $0x1, v1  }
0x62: {  	vm3 =	vge.f32 v9, v5;
	vm4 =	vge.f32 v8, v5;
	v14 =	vsel vm2, $0x1, v1;
	(xrf0) =	vadd.scan.msk.s32 $0xffff, v15  }
0x63: {  	vm5 =	vge.f32 v7, v5;
	vm6 =	vge.f32 v10, v5;
	v15 =	vsel vm3, $0x1, v1;
	(xrf0) =	vadd.scan.msk.s32 $0xffff, v14  }
0x64: {  	vm7 =	vge.f32 v6, v5;
	v18 =	vmpcnt.ones.xlane vm8;
	v14 =	vsel vm4, $0x1, v1;
	(xrf0) =	vadd.scan.msk.s32 $0xffff, v15  }
0x65: {  	v19 =	vmpcnt.ones.xlane vm2;
	v21 =	vmpcnt.ones.xlane vm4;
	v15 =	vsel vm5, $0x1, v1;
	(xrf0) =	vadd.scan.msk.s32 $0xffff, v14;
	v24, _, _ =	vpop (xrf0)  }
0x66: {  	v20 =	vmpcnt.ones.xlane vm1;
	v16 =	vsel vm6, $0x1, v1;
	(xrf0) =	vadd.scan.msk.s32 $0xffff, v15;
	v24 =	vadd.s32 v24, v17  }
0x67: {  	v28 =	vmpcnt.ones.xlane vm6;
	v23 =	vsel vm7, $0x1, v1;
	v29 =	vmpcnt.ones.xlane vm5;
	v14 =	vld [tilespmem:s18+$0x1080];
	(xrf0) =	vadd.scan.msk.s32 $0xffff, v16  }
0x68: {  	v22 =	vmpcnt.ones.xlane vm7;
	v26 =	vmpcnt.ones.xlane vm3;
	v18 =	vadd.s32 v17, v18;
	v15 =	vld [tilespmem:s18+$0x1090];
	v25, _, _ =	vpop (xrf0);
	(xrf0) =	vadd.scan.msk.s32 $0xffff, v23  }
0x69: {  	v20 =	vadd.s32 v18, v20;
	v16 =	vld [tilespmem:s18+$0x10A0];
	v30 =	vadd.s32 $0xFFFFFFFF, v24;
	v23 =	vadd.s32 v18, v25;
	v24, _, _ =	vpop (xrf0)  }
0x6a: {  	v17 =	vld [tilespmem:s18+$0x10B0];
	v25 =	vadd.s32 $0xFFFFFFFF, v23;
	v23 =	vadd.s32 v20, v24;
	v20 =	vadd.s32 v20, v19;
	v24, _, _ =	vpop (xrf0)  }
0x6b: {  	v18 =	vld [tilespmem:s18+$0x10C0];
	v23 =	vadd.s32 $0xFFFFFFFF, v23;
	v24 =	vadd.s32 v20, v24;
	v26 =	vadd.s32 v20, v26;
	v31, _, _ =	vpop (xrf0)  }
0x6c: {  	v19 =	vld [tilespmem:s18+$0x10D0];
	v24 =	vadd.s32 $0xFFFFFFFF, v24;
	v31 =	vadd.s32 v26, v31;
	v32 =	vadd.s32 v26, v21;
	v33, _, _ =	vpop (xrf0)  }
0x6d: {  	v20 =	vld [tilespmem:s18+$0x10E0];
	v26 =	vadd.s32 $0xFFFFFFFF, v31;
	v31 =	vadd.s32 v32, v33;
	v32 =	vadd.s32 v32, v29;
	v29, _, _ =	vpop (xrf0)  }
0x6e: {  	v21 =	vld [tilespmem:s18+$0x10F0];
	s18 =	simm.s32 $0x200;
	[tilespmem:v30+s13+$0x0] =	vst.idx.msk vm8, v27;
	v27 =	vadd.s32 $0xFFFFFFFF, v31;
	v29 =	vadd.s32 v32, v29;
	v28 =	vadd.s32 v32, v28;
	v30, _, _ =	vpop (xrf0)  }
.LBB2_3:
0x6f: {  	p1 =	sne.s32 s18, $0x7E00;
	[tilespmem:v25+s13+$0x0] =	vst.idx.msk vm1, v13;
	v13 =	vadd.s32 $0xFFFFFFFF, v29;
	v25 =	vadd.s32 v28, v30;
	s19 =	smov.u32 s18;
	s18 =	sadd.s32 $0x200, s18  }
0x70: {  	s19 =	sshra.s32 s19, $0x2;
	[tilespmem:v23+s13+$0x0] =	vst.idx.msk vm2, v11;
	v11 =	vadd.s32 $0xFFFFFFFF, v25;
	v23 =	vadd.s32 v28, v22  }
0x71: {  	[tilespmem:v24+s13+$0x0] =	vst.idx.msk vm3, v9  }
0x72: {  	[tilespmem:v26+s13+$0x0] =	vst.idx.msk vm4, v8  }
0x73: {  	[tilespmem:v27+s13+$0x0] =	vst.idx.msk vm5, v7  }
0x74: {  	[tilespmem:v13+s13+$0x0] =	vst.idx.msk vm6, v10  }
0x75: {  	[tilespmem:v11+s13+$0x0] =	vst.idx.msk vm7, v6  }
0x76: {  	v13 =	vld.idx.msk [tilespmem:v12+s19+$0xFFFFFFD0 ss:$0x1], $0xffff  }
0x77: {  	v27 =	vld.idx.msk [tilespmem:v12+s19+$0xFFFFFFC0 ss:$0x1], $0xffff  }
0x78: {  	v6 =	vld.idx.msk [tilespmem:v12+s19+$0x30 ss:$0x1], $0xffff  }
0x79: {  	v11 =	vld.idx.msk [tilespmem:v12+s19+$0xFFFFFFE0 ss:$0x1], $0xffff  }
0x7a: {  	v9 =	vld.idx.msk [tilespmem:v12+s19+$0xFFFFFFF0 ss:$0x1], $0xffff  }
0x7b: {  	v8 =	vld.idx.msk [tilespmem:v12+s19+$0x0 ss:$0x1], $0xffff  }
0x7c: {  	v7 =	vld.idx.msk [tilespmem:v12+s19+$0x10 ss:$0x1], $0xffff  }
0x7d: {  	vm1 =	vge.f32 v13, v5;
	vm8 =	vge.f32 v27, v5;
	v10 =	vld.idx.msk [tilespmem:v12+s19+$0x20 ss:$0x1], $0xffff  }
0x7e: {  	v24 =	vsel vm1, $0x1, v1;
	v22 =	vsel vm8, $0x1, v1;
	v25 =	vmpcnt.ones.xlane vm8  }
0x7f: {  	vm2 =	vge.f32 v11, v5;
	(xrf0) =	vadd.scan.msk.s32 $0xffff, v22  }
0x80: {  	v22 =	vsel vm2, $0x1, v1;
	vm3 =	vge.f32 v9, v5;
	v26 =	vmpcnt.ones.xlane vm2;
	(xrf0) =	vadd.scan.msk.s32 $0xffff, v24  }
0x81: {  	v24 =	vsel vm3, $0x1, v1;
	vm4 =	vge.f32 v8, v5;
	(xrf0) =	vadd.scan.msk.s32 $0xffff, v22  }
0x82: {  	v22 =	vsel vm4, $0x1, v1;
	vm5 =	vge.f32 v7, v5;
	v28 =	vmpcnt.ones.xlane vm4;
	(xrf0) =	vadd.scan.msk.s32 $0xffff, v24  }
0x83: {  	v29 =	vmpcnt.ones.xlane vm1;
	v24 =	vsel vm5, $0x1, v1;
	vm6 =	vge.f32 v10, v5;
	(xrf0) =	vadd.scan.msk.s32 $0xffff, v22  }
0x84: {  	vm7 =	vge.f32 v6, v5;
	v30 =	vsel vm6, $0x1, v1;
	v31 =	vmpcnt.ones.xlane vm6;
	(xrf0) =	vadd.scan.msk.s32 $0xffff, v24  }
0x85: {  	v32 =	vmpcnt.ones.xlane vm5;
	v22 =	vmpcnt.ones.xlane vm7;
	v24 =	vsel vm7, $0x1, v1;
	v33, _, _ =	vpop (xrf0);
	(xrf0) =	vadd.scan.msk.s32 $0xffff, v30  }
0x86: {  	v30 =	vadd.s32 v33, v23;
	v23 =	vadd.s32 v23, v25;
	v33 =	vmpcnt.ones.xlane vm3;
	v25, _, _ =	vpop (xrf0);
	(xrf0) =	vadd.scan.msk.s32 $0xffff, v24  }
0x87: {  	v30 =	vadd.s32 $0xFFFFFFFF, v30;
	v24 =	vadd.s32 v23, v25;
	v23 =	vadd.s32 v23, v29;
	v29, _, _ =	vpop (xrf0)  }
.Ltmp4:
0x88: {  	v25 =	vadd.s32 $0xFFFFFFFF, v24;
	v24 =	vadd.s32 v23, v29;
	v26 =	vadd.s32 v23, v26;
	v29, _, _ =	vpop (xrf0);
	(pc) =	sbr.rel @p1 .LBB2_3-.Ltmp4, $4  }
0x89: {  	v23 =	vadd.s32 $0xFFFFFFFF, v24;
	v24 =	vadd.s32 v26, v29;
	v26 =	vadd.s32 v26, v33;
	v29, _, _ =	vpop (xrf0)  }
0x8a: {  	v24 =	vadd.s32 $0xFFFFFFFF, v24;
	v29 =	vadd.s32 v26, v29;
	v28 =	vadd.s32 v26, v28;
	v33, _, _ =	vpop (xrf0)  }
0x8b: {  	v26 =	vadd.s32 $0xFFFFFFFF, v29;
	v29 =	vadd.s32 v28, v33;
	v28 =	vadd.s32 v28, v32;
	v32, _, _ =	vpop (xrf0)  }
0x8c: {  	[tilespmem:v30+s13+$0x0] =	vst.idx.msk vm8, v27;
	v27 =	vadd.s32 $0xFFFFFFFF, v29;
	v29 =	vadd.s32 v28, v32;
	v28 =	vadd.s32 v28, v31;
	v30, _, _ =	vpop (xrf0)  }
0x8d: {  	v12 =	vmax.f32 v14, $0.0e+00  }
0x8e: {  	v12 =	vmax.f32 v12, v15  }
0x8f: {  	v12 =	vmax.f32 v12, v16  }
0x90: {  	v12 =	vmax.f32 v12, v17  }
0x91: {  	v12 =	vmax.f32 v12, v18  }
0x92: {  	v12 =	vmax.f32 v12, v19  }
0x93: {  	v12 =	vmax.f32 v12, v20  }
0x94: {  	v12 =	vmax.f32 v12, v21  }
0x95: {  	v60 =	vadd.s32 v28, v22;
	(xrf0) =	vmax.scan.msk.f32 $0xffff, v12  }
0x96: {  	(xrf0) =	vadd.scan.msk.s32 $0xffff, v60;
	_ =	sdelay $0x4  }
0x97: {  	v12, _, _ =	vpop (xrf0)  }
0x98: {  	v14, _, _ =	vpop (xrf0)  }
0x99: {  	(v2sf) =	vpush v14, $0xF;
	_ =	sdelay $0xe  }
0x9a: {  	s18 =	spop (v2sf)  }
0x9b: {  	s19 =	sand.u32 $0xF, s18  }
0x9c: {  	s20 =	sshra.s32 s18, $0x1F;
	p1 =	slt.s32 s18, $0x1;
	p2 =	sne.s32 s19, $0x0  }
0x9d: {  	s29 =	sshrl.u32 s20, $0x1C;
	p1 =	por !p1, !p2  }
0x9e: {  	[tilespmem:v25+s13+$0x0] =	vst.idx.msk vm1, v13;
	v61 =	vadd.s32 $0xFFFFFFFF, v29;
	v62 =	vadd.s32 v28, v30;
	s19 =	simm.s32 $0x1;
	s18 =	sadd.s32 s29, s18;
	p1 =	por !p1, !p1  }
0x9f: {  	[tilespmem:v23+s13+$0x0] =	vst.idx.msk vm2, v11;
	v63 =	vadd.s32 $0xFFFFFFFF, v62;
	s18 =	sshra.s32 s18, $0x4;
	s19 =	simm.s32 @!p1 $0x0  }
0xa0: {  	[tilespmem:v24+s13+$0x0] =	vst.idx.msk vm3, v9;
	s19 =	ssub.s32 s18, s19  }
0xa1: {  	[tilespmem:v26+s13+$0x0] =	vst.idx.msk vm4, v8;
	s18 =	sadd.s32 $0x3F, s19  }
0xa2: {  	[tilespmem:v27+s13+$0x0] =	vst.idx.msk vm5, v7;
	s30 =	sand.u32 $0x3F, s18  }
0xa3: {  	[tilespmem:v61+s13+$0x0] =	vst.idx.msk vm6, v10;
	p6 =	slt.s32 s19, $0xFFFFFFC2;
	s31 =	sshra.s32 s18, $0x1F;
	p5 =	sne.s32 s30, $0x0  }
.Ltmp5:
0xa4: {  	[tilespmem:v63+s13+$0x0] =	vst.idx.msk vm7, v6;
	v6 =	vadd.s32 $0x1, v12;
	s20 =	sshrl.u32 s31, $0x1A;
	p1 =	por !p6, !p5;
	(pc) =	sbr.rel .LBB2_5-.Ltmp5, $4  }
0xa5: {  	v6 =	vbroadcast v6, $0xF;
	[tilespmem:s19+$0x5080] =	vst v2;
	s18 =	sadd.s32 s20, s18;
	s20 =	simm.s32 $0x1;
	p1 =	por !p1, !p1  }
0xa6: {  	v7 =	vadd.s32 $0x1, v5;
	[tilespmem:s19+$0x5090] =	vst v2;
	s18 =	sshra.s32 s18, $0x6;
	s20 =	simm.s32 @!p1 $0x0  }
0xa7: {  	vm1 =	vgt.s32 v6, v7;
	[tilespmem:s19+$0x50A0] =	vst v2;
	s18 =	ssub.s32 s18, s20  }
0xa8: {  	v6 =	vsel vm1, v6, v7;
	[tilespmem:s19+$0x50B0] =	vst v2;
	s19 =	simm.s32 $0x0;
	p1 =	slt.s32 s18, $0x1  }
.LBB2_8:
0xa9: {  	v12 =	vmpcnt.ones.xlane vm1;
	vm1 =	vge.s32 v8, v7  }
0xaa: {  	v8 =	vmpcnt.ones.xlane vm1;
	vm1 =	vge.s32 v9, v7  }
0xab: {  	v61 =	vadd.s32 v11, v12;
	v62 =	vmpcnt.ones.xlane vm1;
	vm1 =	vge.s32 v10, v7  }
0xac: {  	v8 =	vadd.s32 v8, v61;
	v63 =	vmpcnt.ones.xlane vm1  }
0xad: {  	v8 =	vadd.s32 v62, v8  }
0xae: {  	v8 =	vadd.s32 v63, v8  }
0xaf: {  	vm1 =	vgt.s32 v8, $0x3F  }
.LBB2_9:
0xb0: {  	s19 =	sadd.s32 $0x1, s19  }
0xb1: {  	p2 =	sne.s32 s19, $0x1F  }
.Ltmp6:
0xb2: {  	_ = 	snop;
	(pc) =	sbr.rel @!p2 .LBB2_10-.Ltmp6, $2  }
0xb3: {  	_ =	sdelay $0x2  }
0xb4: {  	v5 =	vsel vm1, v7, v5;
	v6 =	vsel vm1, v6, v7  }
.LBB2_5:
.Ltmp7:
0xb5: {  	(pc) =	sbr.rel @p1 .LBB2_9-.Ltmp7, $4  }
0xb6: {  	_ = 	snop  }
0xb7: {  	v7 =	vsub.s32 v6, v5  }
0xb8: {  	v7 =	vshrl.u32 v7, $0x1  }
0xb9: {  	vm1 =	vmmov vm0;
	v7 =	vadd.s32 v5, v7  }
0xba: {  	s21 =	simm.s32 $0x50A0  }
0xbb: {  	p2 =	sne.s32 s18, $0x1;
	v12 =	vld [tilespmem:s21+$0xFFFFFFE0]  }
.Ltmp8:
0xbc: {  	v8 =	vld [tilespmem:s21+$0xFFFFFFF0];
	(pc) =	sbr.rel @!p2 .LBB2_8-.Ltmp8, $3  }
0xbd: {  	v9 =	vld [tilespmem:s21+$0x0]  }
0xbe: {  	v10 =	vld [tilespmem:s21+$0x10];
	_ =	sdelay $0x1  }
0xbf: {  	v11 =	vimm.s32 $0x0;
	s20 =	sadd.s32 $0xFFFFFFFF, s18;
	s21 =	simm.s32 $0x50E0;
	vm1 =	vge.s32 v12, v7  }
.LBB2_7:
0xc0: {  	v12 =	vld [tilespmem:s21+$0xFFFFFFE0];
	p2 =	sne.s32 s20, $0x1;
	s20 =	sadd.s32 $0xFFFFFFFF, s20;
	v13 =	vmpcnt.ones.xlane vm1;
	vm1 =	vge.s32 v8, v7  }
.Ltmp9:
0xc1: {  	v8 =	vld [tilespmem:s21+$0xFFFFFFF0];
	v14 =	vmpcnt.ones.xlane vm1;
	vm1 =	vge.s32 v9, v7;
	(pc) =	sbr.rel @p2 .LBB2_7-.Ltmp9, $4  }
0xc2: {  	v9 =	vld [tilespmem:s21+$0x0];
	v11 =	vadd.s32 v11, v13;
	v13 =	vmpcnt.ones.xlane vm1;
	vm1 =	vge.s32 v10, v7  }
0xc3: {  	v10 =	vld [tilespmem:s21+$0x10];
	v11 =	vadd.s32 v14, v11;
	v14 =	vmpcnt.ones.xlane vm1  }
0xc4: {  	v11 =	vadd.s32 v13, v11  }
0xc5: {  	s21 =	sadd.s32 $0x40, s21;
	vm1 =	vge.s32 v12, v7;
	v11 =	vadd.s32 v14, v11  }
.Ltmp10:
0xc6: {  	_ = 	snop;
	(pc) =	sbr.rel .LBB2_8-.Ltmp10, $1  }
0xc7: {  	_ =	sdelay $0x3  }
.LBB2_12:
0xc8: {  	_ =	sfence.sel $0x180000  }
0xc9: {  	[bflag:$0x0] =	sbarrier.arrive $0xFFFF  }
0xca: {  	p0 =	sne.s32 s1, $0x0;
	_ =	strace $0x90000047  }
0xcb: {  	s0 =	sadd.s32 @!p0 $0x100000, s0;
	[bflag:$0x2] =	sbarrier.arrive $0xFFFF  }
0xcc: {  	[sflag:s0] =	ssyncadd.tile.s32 @!p0 $0x1;
	_ =	shalt  }
.Lfunc_end2:
_tile_overlayer_lowered:
.L_overlay_start_2:
0xcd: {  	(tag) =	ssettag $0x2  }
0xce: {  	s0 =	rddreg [dreg:$0x0];
	s2 =	stileid.u32  }
0xcf: {  	s1 =	rddreg [dreg:$0x1];
	p0 =	sne.s32 s2, $0x0  }
0xd0: {  	s3 =	rddreg [dreg:$0x2];
	[bflag:$0x3] =	sbarrier.arrive $0xFFFF;
	s2 =	simm.s32 @!p0 $0x1C02  }
0xd1: {  	[timem:s3], [sflag:s2] =	dma.local @!p0 [hbm:s0], s1  }
0xd2: {  	s0 =	simm.s32 @!p0 $0x2  }
0xd3: {  	_ =	swait.ge @!p0 [sflag:s0], s1  }
0xd4: {  	s1 =	ssub.s32 @!p0 $0x0, s1;
	[sflag:s0] =	ssyncset.done @!p0 $0x0  }
0xd5: {  	[sflag:s0] =	ssyncadd.s32 @!p0 s1  }
0xd6: {  	[bflag:$0x3] =	sbarrier.arrive $0xFFFF  }
0xd7: {  	_ =	shalt  }

// kernel: kernel.13.cloned.1.call-start
scs
__scs_entry_jumppad:
0x0: {  	(pc) =	sbr.rel $0x88, $3  }
0x1: {  	(tag) =	ssettag $0x0;
	lr =	simm.s32 $0x1  }
0x2: {  	[smem:$0x3F9C] =	sst lr;
	_ =	strace $0xD0000000  }
0x3: {  	_ = 	snop  }
0x4: {  	_ = 	snop  }
0x5: {  	_ = 	snop  }
0x6: {  	_ = 	snop  }
0x7: {  	_ = 	snop  }
__scs_overlays_trampoline_lowered:
0x8: {  	[smem:$0x3FAB] =	sst s0  }
0x9: {  	[smem:$0x3FAC] =	sst s1  }
0xa: {  	[smem:$0x3FAD] =	sst s2  }
0xb: {  	[smem:$0x3FAE] =	sst s3  }
0xc: {  	[smem:$0x3FAF] =	sst s4  }
0xd: {  	[smem:$0x3FB0] =	sst s5  }
0xe: {  	[smem:$0x3FB1] =	sst s6  }
0xf: {  	[smem:$0x3FB2] =	sst s7  }
0x10: {  	[smem:$0x3FB3] =	sst s8  }
0x11: {  	[smem:$0x3FB4] =	sst s9;
	s0 =	simm.s32 @!p0 $0x0  }
0x12: {  	s1 =	sld [smem:$0x3F9A];
	s0 =	simm.s32 @p0 $0x1  }
0x13: {  	[smem:$0x3FB5] =	sst s0;
	s0 =	simm.s32 @!p1 $0x0  }
0x14: {  	s2 =	sld [smem:$0x3F99];
	s0 =	simm.s32 @p1 $0x1  }
0x15: {  	[smem:$0x3FB6] =	sst s0;
	s0 =	simm.s32 @!p2 $0x0  }
0x16: {  	s3 =	sld [smem:$0x3FDB];
	s0 =	simm.s32 @p2 $0x1  }
0x17: {  	s4 =	simm.s32 $0x1BF5;
	[smem:$0x3FB8] =	sst s0  }
0x18: {  	s0 =	sld [smem:$0x3F9B];
	_ =	swait.ge [sflag:s4], $0x0  }
0x19: {  	s7 =	sld [smem:$0x3F9C]  }
0x1a: {  	s8 =	sadd.s32 $0xFFFFE003, lr  }
0x1b: {  	s9 =	sadd.s32 $0xFFFFFEF7, lr;
	s5 =	simm.s32 $0xFFFFFFFF;
	p2 =	slt.u32 s8, $0xFFFFF086  }
0x1c: {  	p1 =	slt.u32 s9, $0xF7A;
	s5 =	simm.s32 @!p2 $0x0  }
0x1d: {  	s5 =	simm.s32 @p1 $0x1;
	p0 =	seq.s32 s7, s2  }
0x1e: {  	s7 =	smul.u32 @!p0 $0xF7A, s2;
	p2 =	seq.s32 @!p0 s5, $0x0  }
0x1f: {  	s9 =	smul.u32 $0xF7A, s1;
	s8 =	simm.s32 @!p0 $0x1BF5;
	p2 =	por !p2, p0  }
0x20: {  	[sflag:s8] =	ssyncset.s32 @!p0 $0xFFFFF086;
	s6 =	sadd.s32 @!p0 s3, s7;
	s7 =	simm.s32 @!p0 $0x108  }
0x21: {  	s3 =	sadd.s32 s3, s9;
	s6 =	sadd.s32 @!p0 $0x88, s6;
	s7 =	simm.s32 @p2 $0x1082  }
0x22: {  	[simem:s7], [sflag:s8] =	dma.local @!p0 [hbm:s6], $0xF7A  }
0x23: {  	s9 =	sor.u32 $0xD0000000, s2;
	s6 =	simm.s32 $0x108;
	_ =	swait.ge @!p0 [sflag:s8], $0x0  }
0x24: {  	s3 =	sadd.s32 $0x88, s3;
	s6 =	simm.s32 @!p1 $0x1082;
	[sflag:s4] =	ssyncset.s32 $0xFFFFF086  }
0x25: {  	[simem:s6], [sflag:s4] =	dma.local [hbm:s3], $0xF7A  }
0x26: {  	[smem:$0x3F9C] =	sst s1;
	(tag) =	ssettag s2;
	_ =	strace s9  }
0x27: {  	s1 =	sld [smem:$0x3FAC]  }
0x28: {  	s2 =	sld [smem:$0x3FAD]  }
0x29: {  	s4 =	sld [smem:$0x3FAF]  }
0x2a: {  	p0 =	seq.s32 s5, $0x0;
	s5 =	sld [smem:$0x3FB0]  }
0x2b: {  	s6 =	sld [smem:$0x3FB1]  }
0x2c: {  	s7 =	sld [smem:$0x3FB2]  }
0x2d: {  	s3 =	simm.s32 $0x108;
	s8 =	sld [smem:$0x3FB3]  }
0x2e: {  	s3 =	simm.s32 @!p0 $0x1082;
	s9 =	sld [smem:$0x3FB4]  }
0x2f: {  	lr =	sadd.s32 s0, s3;
	s0 =	sld [smem:$0x3FAB]  }
0x30: {  	s3 =	sld [smem:$0x3FAE]  }
0x31: {  	[smem:$0x3FB7] =	sst s10  }
0x32: {  	s10 =	sld [smem:$0x3FB5];
	_ =	sdelay $0x3  }
0x33: {  	p0 =	seq.s32 s10, $0x1;
	s10 =	sld [smem:$0x3FB7];
	_ =	sdelay $0x3  }
0x34: {  	[smem:$0x3FB7] =	sst s10  }
0x35: {  	s10 =	sld [smem:$0x3FB6];
	_ =	sdelay $0x3  }
0x36: {  	p1 =	seq.s32 s10, $0x1;
	s10 =	sld [smem:$0x3FB7];
	_ =	sdelay $0x3  }
0x37: {  	[smem:$0x3FB7] =	sst s10  }
0x38: {  	s10 =	sld [smem:$0x3FB8]  }
0x39: {  	_ = 	snop;
	(pc) =	sbr.ind lr, $3  }
0x3a: {  	_ = 	snop  }
0x3b: {  	_ = 	snop  }
0x3c: {  	p2 =	seq.s32 s10, $0x1;
	s10 =	sld [smem:$0x3FB7]  }
0x3d: {  	_ =	shalt  }
0x3e: {  	_ =	shalt  }
0x3f: {  	_ =	shalt  }
0x40: {  	_ =	shalt  }
0x41: {  	_ =	shalt  }
0x42: {  	_ =	shalt  }
0x43: {  	_ =	shalt  }
0x44: {  	_ =	shalt  }
0x45: {  	_ =	shalt  }
0x46: {  	_ =	shalt  }
0x47: {  	_ =	shalt  }
0x48: {  	_ =	shalt  }
0x49: {  	_ =	shalt  }
0x4a: {  	_ =	shalt  }
0x4b: {  	_ =	shalt  }
0x4c: {  	_ =	shalt  }
0x4d: {  	_ =	shalt  }
0x4e: {  	_ =	shalt  }
0x4f: {  	_ =	shalt  }
0x50: {  	_ =	shalt  }
0x51: {  	_ =	shalt  }
0x52: {  	_ =	shalt  }
0x53: {  	_ =	shalt  }
0x54: {  	_ =	shalt  }
0x55: {  	_ =	shalt  }
0x56: {  	_ =	shalt  }
0x57: {  	_ =	shalt  }
0x58: {  	_ =	shalt  }
0x59: {  	_ =	shalt  }
0x5a: {  	_ =	shalt  }
0x5b: {  	_ =	shalt  }
0x5c: {  	_ =	shalt  }
0x5d: {  	_ =	shalt  }
0x5e: {  	_ =	shalt  }
0x5f: {  	_ =	shalt  }
0x60: {  	_ =	shalt  }
0x61: {  	_ =	shalt  }
0x62: {  	_ =	shalt  }
0x63: {  	_ =	shalt  }
0x64: {  	_ =	shalt  }
0x65: {  	_ =	shalt  }
0x66: {  	_ =	shalt  }
0x67: {  	_ =	shalt  }
0x68: {  	_ =	shalt  }
0x69: {  	_ =	shalt  }
0x6a: {  	_ =	shalt  }
0x6b: {  	_ =	shalt  }
0x6c: {  	_ =	shalt  }
0x6d: {  	_ =	shalt  }
0x6e: {  	_ =	shalt  }
0x6f: {  	_ =	shalt  }
0x70: {  	_ =	shalt  }
0x71: {  	_ =	shalt  }
0x72: {  	_ =	shalt  }
0x73: {  	_ =	shalt  }
0x74: {  	_ =	shalt  }
0x75: {  	_ =	shalt  }
0x76: {  	_ =	shalt  }
0x77: {  	_ =	shalt  }
0x78: {  	_ =	shalt  }
0x79: {  	_ =	shalt  }
0x7a: {  	_ =	shalt  }
0x7b: {  	_ =	shalt  }
0x7c: {  	_ =	shalt  }
0x7d: {  	_ =	shalt  }
0x7e: {  	_ =	shalt  }
0x7f: {  	_ =	shalt  }
0x80: {  	_ =	shalt  }
0x81: {  	_ =	shalt  }
0x82: {  	_ =	shalt  }
0x83: {  	_ =	shalt  }
0x84: {  	_ =	shalt  }
0x85: {  	_ =	shalt  }
0x86: {  	_ =	shalt  }
0x87: {  	_ =	shalt  }
.Lfunc_end0:
.L_simem_size_0:
called_computation.1_lowered:
.L_overlay_start_0:
0x88: {  	s2 =	sld [smem:$0x3FD9]  }
0x89: {  	s3 =	sld [smem:$0x3FFE];
	_ =	sdelay $0x1  }
0x8a: {  	s1 =	srdreg.scid  }
0x8b: {  	s0 =	sand.u32 $0x1, s1  }
0x8c: {  	s17 =	sshll.u32 s0, $0xA;
	s2 =	sadd.s32 s3, s2  }
0x8d: {  	s2 =	sadd.s32 s2, s17  }
0x8e: {  	[smem:$0x3FC3] =	sst s2  }
0x8f: {  	_ = 	snop  }
0x90: {  	s18 =	sld [smem:$0x3FD0];
	(tm) =	ssettm $0x1  }
0x91: {  	s19 =	sld [smem:$0x3FFB];
	_ =	sdelay $0x3  }
0x92: {  	_ =	strace s19  }
0x93: {  	s2 =	sld [smem:$0x3FFC];
	_ =	sdelay $0x3  }
0x94: {  	_ =	strace s2  }
0x95: {  	s2 =	sld [smem:$0x3FFD];
	_ =	sdelay $0x3  }
0x96: {  	_ =	strace s2  }
0x97: {  	_ =	strace $0x8FFFFFFF  }
0x98: {  	s20 =	sld [smem:$0x3FDB];
	_ =	sdelay $0x1  }
0x99: {  	s4 =	simm.s32 $_scs_section_size  }
0x9a: {  	s5 =	simm.s32 $_size__tile_overlayer_lowered;
	s6 =	simm.s32 $_tile_overlayer_lowered  }
0x9b: {  	s7 =	simm.s32 $0x1BFF;
	s21 =	sshll.u32 s6, $0x1;
	s4 =	sadd.s32 s4, s20  }
0x9c: {  	s22 =	simm.s32 $0x0;
	s5 =	sshll.u32 s5, $0x1;
	s6 =	sadd.s32 s21, s4  }
0x9d: {  	[timem:s22], [sflag:s7] =	dma.local [hbm:s6], s5  }
0x9e: {  	_ =	swait.ge [sflag:s7], s5  }
0x9f: {  	s5 =	ssub.s32 $0x0, s5;
	[sflag:s7] =	ssyncset.done $0x0  }
0xa0: {  	[sflag:s7] =	ssyncadd.s32 s5;
	_ =	sdelay $0x1  }
0xa1: {  	s23 =	simm.s32 $0x1B8B  }
0xa2: {  	_ =	swait.ge [sflag:s23], $0x1  }
0xa3: {  	[sflag:s23] =	ssyncset.done $0x0  }
0xa4: {  	[sflag:s23] =	ssyncadd.s32 $0xFFFFFFFF  }
0xa5: {  	s5 =	sld [smem:$0x0]  }
0xa6: {  	s6 =	sand.u32 $0xFFFFFFFE, s1  }
0xa7: {  	p0 =	sne.s32 s1, s6  }
0xa8: {  	s6 =	sshll.u32 @p0 s6, $0xE  }
0xa9: {  	s6 =	sadd.s32 @p0 $0x11B8D, s6;
	s7 =	sshll.u32 @p0 s5, $0x11  }
0xaa: {  	s6 =	sor.u32 @p0 s7, s6  }
0xab: {  	[sflag:s6] =	ssyncadd.remote.s32 @p0 $0x1;
	_ =	sdelay $0x1  }
0xac: {  	s6 =	simm.s32 @p0 $0x1B8D  }
0xad: {  	_ =	swait.eq @p0 [sflag:s6], $0x1  }
0xae: {  	[sflag:s6] =	ssyncadd.s32 @p0 $0xFFFFFFFF  }
0xaf: {  	s7 =	sshll.u32 @!p0 s1, $0xE  }
0xb0: {  	s7 =	sor.u32 @!p0 $0x4000, s7;
	s6 =	simm.s32 @!p0 $0x1B8D  }
0xb1: {  	s5 =	sshll.u32 @!p0 s5, $0x11;
	s7 =	sadd.s32 @!p0 $0x11B8D, s7;
	_ =	swait.eq @!p0 [sflag:s6], $0x1  }
0xb2: {  	s5 =	sor.u32 @!p0 s5, s7;
	[sflag:s6] =	ssyncadd.s32 @!p0 $0xFFFFFFFF  }
0xb3: {  	s25 =	simm.s32 $0x1B8E;
	s24 =	sld [smem:$0x3FFE];
	[sflag:s5] =	ssyncadd.remote.s32 @!p0 $0x1  }
0xb4: {  	s26 =	simm.s32 $execute0_lowered;
	[smem:$0x3FD2] =	sst s25  }
0xb5: {  	s6 =	sshll.u32 s26, $0x1;
	_ =	strace $0x80000049;
	[dreg:$0x1] =	wrdreg $0xFFFFFFFF  }
0xb6: {  	s28 =	simm.s32 $_size_execute0_lowered;
	s4 =	sadd.s32 s4, s6;
	[dreg:$0x0] =	wrdreg $0x0  }
0xb7: {  	s6 =	sshll.u32 s28, $0x1;
	[dreg:$0x2] =	wrdreg s4  }
0xb8: {  	[dreg:$0x3] =	wrdreg s6  }
0xb9: {  	[dreg:$0x4] =	wrdreg $0xC0  }
0xba: {  	_ =	task [dreg:s22], $0x5FFFF  }
0xbb: {  	[dreg:$0x1] =	wrdreg $0xFFFFFFFF  }
0xbc: {  	[dreg:$0x0] =	wrdreg $0x60  }
0xbd: {  	[dreg:$0x2] =	wrdreg s24  }
0xbe: {  	[dreg:$0x3] =	wrdreg s18  }
0xbf: {  	[dreg:$0x4] =	wrdreg $0xA  }
0xc0: {  	_ =	task.clear_ibuf [dreg:s22], $0x5FFFF;
	_ =	strace $0x90000049  }
0xc1: {  	s29 =	simm.s32 $0xA;
	_ =	strace $0x8000004B  }
0xc2: {  	_ =	swait.ge [sflag:s29], $0x1  }
0xc3: {  	[sflag:s29] =	ssyncadd.s32 $0xFFFFFFFF  }
0xc4: {  	_ =	strace $0x9000004B  }
0xc5: {  	_ =	sfence  }
0xc6: {  	s30 =	sld [smem:$0x0];
	_ =	sdelay $0x2  }
0xc7: {  	s31 =	sshll.u32 s1, $0xD;
	s1 =	sshrl.u32 s1, $0x2  }
0xc8: {  	s4 =	sand.u32 $0x4000, s31;
	s1 =	sadd.s32 s1, s30  }
0xc9: {  	s0 =	sor.u32 s4, s0;
	s1 =	sshll.u32 s1, $0x11  }
0xca: {  	s0 =	sor.u32 s1, s0  }
0xcb: {  	s0 =	sadd.s32 $0x8F2B, s0  }
0xcc: {  	[sflag:s0] =	ssyncadd.remote.s32 $0x1  }
0xcd: {  	_ =	sfence.sel $0xFFFF  }
0xce: {  	[dreg:$0x0] =	wrdreg $0xFFFFFFFF;
	(pc) =	sbr.abs _section_cstart, $3  }
0xcf: {  	[dreg:$0x1] =	wrdreg $0xFFFFFFFF  }
0xd0: {  	_ =	task.clear_ibuf [dreg:s22], $0x2FFFF;
	_ =	strace $0x9FFFFFFF  }
0xd1: {  	(tm) =	ssettm $0x7FFFFFFF  }
tec
execute0_lowered:
.L_overlay_start_1:
0x0: {  	(tag) =	ssettag $0x1  }
0x1: {  	s4 =	rddreg [dreg:$0x0]  }
0x2: {  	s5 =	rddreg [dreg:$0x1]  }
0x3: {  	s0 =	rddreg [dreg:$0x2]  }
0x4: {  	s3 =	srdreg.scid;
	s1 =	stileid.u32  }
0x5: {  	s2 =	simm.s32 $0x0;
	s11 =	simm.s32 $0x1080;
	s12 =	simm.s32 $0x1  }
0x6: {  	s13 =	simm.s32 $0x5080;
	s14 =	simm.s32 $0x7100;
	s15 =	simm.s32 $0x0  }
0x7: {  	s3 =	sand.u32 $0x1, s3;
	s6 =	sshll.u32 s1, $0x1;
	[smem:$0x7FF] =	sst s2  }
0x8: {  	s6 =	sor.u32 s3, s6;
	_ =	strace $0x8000004A;
	s8 =	ssub.s32 $0x2, s3  }
.Ltmp0:
0x9: {  	s3 =	sadd.s32 $0xF02000, s4;
	s7 =	sshll.u32 s6, $0x3;
	(pc) =	sbr.rel .LBB2_1-.Ltmp0, $4  }
0xa: {  	s31 =	sshrl.u32 s8, $0x1;
	s9 =	sshll.u32 s6, $0x9;
	s10 =	smul.u32 $0x3000, s6  }
0xb: {  	s7 =	sadd.s32 s7, s4;
	s8 =	ssub.s32 s8, s31;
	s4 =	sshll.u32 s6, $0x6  }
0xc: {  	v1 =	vimm.s32 $0x0;
	v2 =	vimm.f32 $0.0e+00;
	s5 =	sadd.s32 s5, s9;
	s9 =	simm.s32 $0x40;
	s6 =	sadd.s32 $0x6200, s7  }
0xd: {  	vm0 =	vmxor vm0, vm0;
	v3 =	vlaneseq.u32;
	s7 =	smax.u32 s8, $0x1;
	s8 =	simm.s32 $0x2;
	v0 =	vmov s10;
	s10 =	simm.s32 $0x1000  }
.LBB2_11:
0xe: {  	s15 =	sadd.s32 $0x1, s15  }
0xf: {  	p0 =	sne.s32 s15, s7  }
.Ltmp1:
0x10: {  	_ = 	snop;
	(pc) =	sbr.rel @!p0 .LBB2_12-.Ltmp1, $4  }
0x11: {  	[hbm4b:s6+s2] =	stream.linear.scatter [tilespmem:s14], [sflag:$0x2], $0x40, $0x38;
	[tilespmem:$0x7180] =	vst v63  }
0x12: {  	_ =	swait.ge [sflag:s8], $0x40  }
0x13: {  	[sflag:s8] =	ssyncset.done $0x0  }
0x14: {  	[sflag:s8] =	ssyncadd.s32 $0xFFFFFFC0  }
.LBB2_1:
0x15: {  	[tilespmem:s2], [sflag:$0x2] =	stream.linear.gather [hbm4b:s5+s2], $0x1000, $0x38;
	[tilespmem:$0x7180] =	vst v63  }
0x16: {  	_ =	swait.ge [sflag:s8], $0x1000  }
0x17: {  	[sflag:s8] =	ssyncset.done $0x0  }
0x18: {  	[sflag:s8] =	ssyncadd.s32 $0xFFFFF000  }
0x19: {  	v4 =	vld [tilespmem:$0x0]  }
0x1a: {  	v5 =	vld [tilespmem:$0x10]  }
0x1b: {  	v6 =	vld [tilespmem:$0x20]  }
0x1c: {  	v7 =	vld [tilespmem:$0x30];
	_ =	sdelay $0x1  }
0x1d: {  	v4 =	vshll.u32 v4, $0x3  }
0x1e: {  	v5 =	vshll.u32 v5, $0x3;
	v4 =	vadd.s32 v0, v4  }
0x1f: {  	[tilespmem:$0x1000] =	vst v4;
	v4 =	vadd.s32 v0, v5;
	v5 =	vshll.u32 v6, $0x3  }
0x20: {  	[tilespmem:$0x1010] =	vst v4;
	v4 =	vadd.s32 v0, v5;
	v5 =	vshll.u32 v7, $0x3  }
0x21: {  	[tilespmem:$0x1020] =	vst v4;
	v4 =	vadd.s32 v0, v5  }
.Ltmp2:
0x22: {  	[tilespmem:$0x1030] =	vst v4;
	(pc) =	sbr.rel .LBB2_2-.Ltmp2, $4  }
0x23: {  	[tilespmem:s11], [sflag:$0x1] =	stream.indirect.gather [hbm4b:s3+s9], $0x80, s10, s9, $0xb8;
	[tilespmem:$0x7180] =	vst v63  }
0x24: {  	_ =	swait.ge [sflag:s12], $0x2000  }
0x25: {  	[sflag:s12] =	ssyncset.done $0x0  }
0x26: {  	p0 =	por $0x0, $0x0;
	s17 =	simm.s32 $0x0;
	v4 =	vimm.f32 $0.0e+00;
	[sflag:s12] =	ssyncadd.s32 $0xFFFFE000  }
.LBB2_10:
0x27: {  	s18 =	sand.u32 $0xF, s17  }
0x28: {  	v6 =	vmov s18  }
0x29: {  	v5 =	vmax.f32 v5, $9.999999910e-38;
	p1 =	sne.s32 s18, $0xF;
	vm1 =	veq.s32 v6, v3  }
0x2a: {  	s17 =	sand.u32 @!p1 $0x30, s17;
	v4 =	vsel vm1, v5, v4  }
0x2b: {  	[tilespmem:s17+$0x7100] =	vst @!p1 v4;
	p1 =	sne.s32 s16, $0x40  }
.Ltmp3:
0x2c: {  	_ = 	snop;
	(pc) =	sbr.rel @!p1 .LBB2_11-.Ltmp3, $4  }
0x2d: {  	_ = 	snop  }
0x2e: {  	_ =	swait.ge [sflag:s12], $0x2000  }
0x2f: {  	[sflag:s12] =	ssyncset.done $0x0  }
0x30: {  	p0 =	por !p0, !p0;
	s17 =	smov.u32 s16;
	[sflag:s12] =	ssyncadd.s32 $0xFFFFE000  }
.LBB2_2:
0x31: {  	s16 =	sadd.s32 $0x1, s17  }
0x32: {  	s18 =	smin.u32 s16, $0x3F  }
0x33: {  	s19 =	sshll.u32 s18, $0x6  }
0x34: {  	v5 =	vld [tilespmem:s19+$0x0]  }
0x35: {  	s20 =	sor.u32 s4, s18  }
0x36: {  	s20 =	sshrl.u32 s20, $0x3  }
0x37: {  	s20 =	smul.u32 $0x600, s20  }
0x38: {  	s18 =	sand.u32 $0x7, s18  }
0x39: {  	s18 =	sor.u32 s18, s20;
	v5 =	vshll.u32 v5, $0x3  }
0x3a: {  	v5 =	vadd.s32 s18, v5  }
0x3b: {  	[tilespmem:$0x1000] =	vst v5  }
0x3c: {  	v5 =	vld [tilespmem:s19+$0x10];
	_ =	sdelay $0x4  }
0x3d: {  	v5 =	vshll.u32 v5, $0x3  }
0x3e: {  	v5 =	vadd.s32 s18, v5  }
0x3f: {  	[tilespmem:$0x1010] =	vst v5  }
0x40: {  	v5 =	vld [tilespmem:s19+$0x20];
	_ =	sdelay $0x4  }
0x41: {  	v5 =	vshll.u32 v5, $0x3  }
0x42: {  	v5 =	vadd.s32 s18, v5  }
0x43: {  	[tilespmem:$0x1020] =	vst v5  }
0x44: {  	v5 =	vld [tilespmem:s19+$0x30];
	_ =	sdelay $0x4  }
0x45: {  	s28 =	sshll.u32 s16, $0xD;
	v5 =	vshll.u32 v5, $0x3  }
0x46: {  	s29 =	sand.u32 $0x2000, s28;
	v5 =	vadd.s32 s18, v5  }
0x47: {  	s30 =	sshll.u32 s17, $0xD;
	s18 =	sor.u32 $0x1080, s29;
	[tilespmem:$0x1030] =	vst v5  }
0x48: {  	[tilespmem:s18], [sflag:$0x1] =	stream.indirect.gather [hbm4b:s3+s9], $0x80, s10, s9, $0xb8;
	[tilespmem:$0x7180] =	vst v63  }
0x49: {  	s18 =	sand.u32 $0x2000, s30  }
0x4a: {  	v5 =	vld [tilespmem:s18+$0x3000]  }
0x4b: {  	v6 =	vld [tilespmem:s18+$0x3010]  }
0x4c: {  	v7 =	vld [tilespmem:s18+$0x3020]  }
0x4d: {  	v8 =	vld [tilespmem:s18+$0x3030]  }
0x4e: {  	v9 =	vld [tilespmem:s18+$0x3040]  }
0x4f: {  	v10 =	vld [tilespmem:s18+$0x3050];
	v5 =	vmax.f32 v5, $0.0e+00  }
0x50: {  	v5 =	vmax.f32 v5, v6;
	v6 =	vld [tilespmem:s18+$0x3060]  }
0x51: {  	v5 =	vmax.f32 v5, v7;
	v7 =	vld [tilespmem:s18+$0x3070]  }
0x52: {  	v5 =	vmax.f32 v5, v8  }
0x53: {  	s19 =	simm.s32 $0x1;
	v5 =	vmax.f32 v5, v9  }
0x54: {  	s19 =	simm.s32 @!p0 $0x0;
	v5 =	vmax.f32 v5, v10  }
0x55: {  	s19 =	sshll.u32 s19, $0xD;
	v5 =	vmax.f32 v5, v6  }
0x56: {  	s19 =	sor.u32 $0x10C0, s19;
	v5 =	vmax.f32 v5, v7  }
0x57: {  	v12 =	vmov s19;
	(xrf0) =	vmax.scan.msk.f32 $0xffff, v5;
	_ =	sdelay $0x3  }
0x58: {  	s31 =	simm.s32 $0x0  }
0x59: {  	v27 =	vld.idx.msk [tilespmem:v12+s31+$0xFFFFFFC0 ss:$0x1], $0xffff  }
0x5a: {  	v13 =	vld.idx.msk [tilespmem:v12+s31+$0xFFFFFFD0 ss:$0x1], $0xffff;
	v5, _, _ =	vpop (xrf0)  }
0x5b: {  	v11 =	vld.idx.msk [tilespmem:v12+s31+$0xFFFFFFE0 ss:$0x1], $0xffff;
	v5 =	vmax.f32 v5, $9.999999910e-38  }
0x5c: {  	v8 =	vld.idx.msk [tilespmem:v12+s31+$0x0 ss:$0x1], $0xffff;
	v5 =	vbroadcast v5, $0xF  }
0x5d: {  	v9 =	vld.idx.msk [tilespmem:v12+s31+$0xFFFFFFF0 ss:$0x1], $0xffff  }
0x5e: {  	v10 =	vld.idx.msk [tilespmem:v12+s31+$0x20 ss:$0x1], $0xffff;
	vm8 =	vge.f32 v27, v5  }
0x5f: {  	v7 =	vld.idx.msk [tilespmem:v12+s31+$0x10 ss:$0x1], $0xffff;
	v14 =	vsel vm8, $0x1, v1  }
0x60: {  	v6 =	vld.idx.msk [tilespmem:v12+s31+$0x30 ss:$0x1], $0xffff;
	(xrf0) =	vadd.scan.msk.s32 $0xffff, v14  }
0x61: {  	vm1 =	vge.f32 v13, v5  }
0x62: {  	v17 =	vimm.s32 $0x0;
	vm2 =	vge.f32 v11, v5;
	v15 =	vsel vm1, $0x1, v1  }
0x63: {  	vm3 =	vge.f32 v9, v5;
	vm4 =	vge.f32 v8, v5;
	v14 =	vsel vm2, $0x1, v1;
	(xrf0) =	vadd.scan.msk.s32 $0xffff, v15  }
0x64: {  	vm5 =	vge.f32 v7, v5;
	vm6 =	vge.f32 v10, v5;
	v15 =	vsel vm3, $0x1, v1;
	(xrf0) =	vadd.scan.msk.s32 $0xffff, v14  }
0x65: {  	vm7 =	vge.f32 v6, v5;
	v18 =	vmpcnt.ones.xlane vm8;
	v14 =	vsel vm4, $0x1, v1;
	(xrf0) =	vadd.scan.msk.s32 $0xffff, v15  }
0x66: {  	v19 =	vmpcnt.ones.xlane vm2;
	v21 =	vmpcnt.ones.xlane vm4;
	v15 =	vsel vm5, $0x1, v1;
	(xrf0) =	vadd.scan.msk.s32 $0xffff, v14;
	v24, _, _ =	vpop (xrf0)  }
0x67: {  	v20 =	vmpcnt.ones.xlane vm1;
	v16 =	vsel vm6, $0x1, v1;
	(xrf0) =	vadd.scan.msk.s32 $0xffff, v15;
	v24 =	vadd.s32 v24, v17  }
0x68: {  	v28 =	vmpcnt.ones.xlane vm6;
	v23 =	vsel vm7, $0x1, v1;
	v29 =	vmpcnt.ones.xlane vm5;
	v14 =	vld [tilespmem:s18+$0x1080];
	(xrf0) =	vadd.scan.msk.s32 $0xffff, v16  }
0x69: {  	v22 =	vmpcnt.ones.xlane vm7;
	v26 =	vmpcnt.ones.xlane vm3;
	v18 =	vadd.s32 v17, v18;
	v15 =	vld [tilespmem:s18+$0x1090];
	v25, _, _ =	vpop (xrf0);
	(xrf0) =	vadd.scan.msk.s32 $0xffff, v23  }
0x6a: {  	v20 =	vadd.s32 v18, v20;
	v16 =	vld [tilespmem:s18+$0x10A0];
	v30 =	vadd.s32 $0xFFFFFFFF, v24;
	v23 =	vadd.s32 v18, v25;
	v24, _, _ =	vpop (xrf0)  }
0x6b: {  	v17 =	vld [tilespmem:s18+$0x10B0];
	v25 =	vadd.s32 $0xFFFFFFFF, v23;
	v23 =	vadd.s32 v20, v24;
	v20 =	vadd.s32 v20, v19;
	v24, _, _ =	vpop (xrf0)  }
0x6c: {  	v18 =	vld [tilespmem:s18+$0x10C0];
	v23 =	vadd.s32 $0xFFFFFFFF, v23;
	v24 =	vadd.s32 v20, v24;
	v26 =	vadd.s32 v20, v26;
	v31, _, _ =	vpop (xrf0)  }
0x6d: {  	v19 =	vld [tilespmem:s18+$0x10D0];
	v24 =	vadd.s32 $0xFFFFFFFF, v24;
	v31 =	vadd.s32 v26, v31;
	v32 =	vadd.s32 v26, v21;
	v33, _, _ =	vpop (xrf0)  }
0x6e: {  	v20 =	vld [tilespmem:s18+$0x10E0];
	v26 =	vadd.s32 $0xFFFFFFFF, v31;
	v31 =	vadd.s32 v32, v33;
	v32 =	vadd.s32 v32, v29;
	v29, _, _ =	vpop (xrf0)  }
0x6f: {  	v21 =	vld [tilespmem:s18+$0x10F0];
	s18 =	simm.s32 $0x200;
	[tilespmem:v30+s13+$0x0] =	vst.idx.msk vm8, v27;
	v27 =	vadd.s32 $0xFFFFFFFF, v31;
	v29 =	vadd.s32 v32, v29;
	v28 =	vadd.s32 v32, v28;
	v30, _, _ =	vpop (xrf0)  }
.LBB2_3:
0x70: {  	p1 =	sne.s32 s18, $0x7E00;
	[tilespmem:v25+s13+$0x0] =	vst.idx.msk vm1, v13;
	v13 =	vadd.s32 $0xFFFFFFFF, v29;
	v25 =	vadd.s32 v28, v30;
	s19 =	smov.u32 s18;
	s18 =	sadd.s32 $0x200, s18  }
0x71: {  	s19 =	sshra.s32 s19, $0x2;
	[tilespmem:v23+s13+$0x0] =	vst.idx.msk vm2, v11;
	v11 =	vadd.s32 $0xFFFFFFFF, v25;
	v23 =	vadd.s32 v28, v22  }
0x72: {  	[tilespmem:v24+s13+$0x0] =	vst.idx.msk vm3, v9  }
0x73: {  	[tilespmem:v26+s13+$0x0] =	vst.idx.msk vm4, v8  }
0x74: {  	[tilespmem:v27+s13+$0x0] =	vst.idx.msk vm5, v7  }
0x75: {  	[tilespmem:v13+s13+$0x0] =	vst.idx.msk vm6, v10  }
0x76: {  	[tilespmem:v11+s13+$0x0] =	vst.idx.msk vm7, v6  }
0x77: {  	v13 =	vld.idx.msk [tilespmem:v12+s19+$0xFFFFFFD0 ss:$0x1], $0xffff  }
0x78: {  	v27 =	vld.idx.msk [tilespmem:v12+s19+$0xFFFFFFC0 ss:$0x1], $0xffff  }
0x79: {  	v6 =	vld.idx.msk [tilespmem:v12+s19+$0x30 ss:$0x1], $0xffff  }
0x7a: {  	v11 =	vld.idx.msk [tilespmem:v12+s19+$0xFFFFFFE0 ss:$0x1], $0xffff  }
0x7b: {  	v9 =	vld.idx.msk [tilespmem:v12+s19+$0xFFFFFFF0 ss:$0x1], $0xffff  }
0x7c: {  	v8 =	vld.idx.msk [tilespmem:v12+s19+$0x0 ss:$0x1], $0xffff  }
0x7d: {  	v7 =	vld.idx.msk [tilespmem:v12+s19+$0x10 ss:$0x1], $0xffff  }
0x7e: {  	vm1 =	vge.f32 v13, v5;
	vm8 =	vge.f32 v27, v5;
	v10 =	vld.idx.msk [tilespmem:v12+s19+$0x20 ss:$0x1], $0xffff  }
0x7f: {  	v24 =	vsel vm1, $0x1, v1;
	v22 =	vsel vm8, $0x1, v1;
	v25 =	vmpcnt.ones.xlane vm8  }
0x80: {  	vm2 =	vge.f32 v11, v5;
	(xrf0) =	vadd.scan.msk.s32 $0xffff, v22  }
0x81: {  	v22 =	vsel vm2, $0x1, v1;
	vm3 =	vge.f32 v9, v5;
	v26 =	vmpcnt.ones.xlane vm2;
	(xrf0) =	vadd.scan.msk.s32 $0xffff, v24  }
0x82: {  	v24 =	vsel vm3, $0x1, v1;
	vm4 =	vge.f32 v8, v5;
	(xrf0) =	vadd.scan.msk.s32 $0xffff, v22  }
0x83: {  	v22 =	vsel vm4, $0x1, v1;
	vm5 =	vge.f32 v7, v5;
	v28 =	vmpcnt.ones.xlane vm4;
	(xrf0) =	vadd.scan.msk.s32 $0xffff, v24  }
0x84: {  	v29 =	vmpcnt.ones.xlane vm1;
	v24 =	vsel vm5, $0x1, v1;
	vm6 =	vge.f32 v10, v5;
	(xrf0) =	vadd.scan.msk.s32 $0xffff, v22  }
0x85: {  	vm7 =	vge.f32 v6, v5;
	v30 =	vsel vm6, $0x1, v1;
	v31 =	vmpcnt.ones.xlane vm6;
	(xrf0) =	vadd.scan.msk.s32 $0xffff, v24  }
0x86: {  	v32 =	vmpcnt.ones.xlane vm5;
	v22 =	vmpcnt.ones.xlane vm7;
	v24 =	vsel vm7, $0x1, v1;
	v33, _, _ =	vpop (xrf0);
	(xrf0) =	vadd.scan.msk.s32 $0xffff, v30  }
0x87: {  	v30 =	vadd.s32 v33, v23;
	v23 =	vadd.s32 v23, v25;
	v33 =	vmpcnt.ones.xlane vm3;
	v25, _, _ =	vpop (xrf0);
	(xrf0) =	vadd.scan.msk.s32 $0xffff, v24  }
0x88: {  	v30 =	vadd.s32 $0xFFFFFFFF, v30;
	v24 =	vadd.s32 v23, v25;
	v23 =	vadd.s32 v23, v29;
	v29, _, _ =	vpop (xrf0)  }
.Ltmp4:
0x89: {  	v25 =	vadd.s32 $0xFFFFFFFF, v24;
	v24 =	vadd.s32 v23, v29;
	v26 =	vadd.s32 v23, v26;
	v29, _, _ =	vpop (xrf0);
	(pc) =	sbr.rel @p1 .LBB2_3-.Ltmp4, $4  }
0x8a: {  	v23 =	vadd.s32 $0xFFFFFFFF, v24;
	v24 =	vadd.s32 v26, v29;
	v26 =	vadd.s32 v26, v33;
	v29, _, _ =	vpop (xrf0)  }
0x8b: {  	v24 =	vadd.s32 $0xFFFFFFFF, v24;
	v29 =	vadd.s32 v26, v29;
	v28 =	vadd.s32 v26, v28;
	v33, _, _ =	vpop (xrf0)  }
0x8c: {  	v26 =	vadd.s32 $0xFFFFFFFF, v29;
	v29 =	vadd.s32 v28, v33;
	v28 =	vadd.s32 v28, v32;
	v32, _, _ =	vpop (xrf0)  }
0x8d: {  	[tilespmem:v30+s13+$0x0] =	vst.idx.msk vm8, v27;
	v27 =	vadd.s32 $0xFFFFFFFF, v29;
	v29 =	vadd.s32 v28, v32;
	v28 =	vadd.s32 v28, v31;
	v30, _, _ =	vpop (xrf0)  }
0x8e: {  	v12 =	vmax.f32 v14, $0.0e+00  }
0x8f: {  	v12 =	vmax.f32 v12, v15  }
0x90: {  	v12 =	vmax.f32 v12, v16  }
0x91: {  	v12 =	vmax.f32 v12, v17  }
0x92: {  	v12 =	vmax.f32 v12, v18  }
0x93: {  	v12 =	vmax.f32 v12, v19  }
0x94: {  	v12 =	vmax.f32 v12, v20  }
0x95: {  	v12 =	vmax.f32 v12, v21  }
0x96: {  	v60 =	vadd.s32 v28, v22;
	(xrf0) =	vmax.scan.msk.f32 $0xffff, v12  }
0x97: {  	(xrf0) =	vadd.scan.msk.s32 $0xffff, v60;
	_ =	sdelay $0x4  }
0x98: {  	v12, _, _ =	vpop (xrf0)  }
0x99: {  	v14, _, _ =	vpop (xrf0)  }
0x9a: {  	(v2sf) =	vpush v14, $0xF;
	_ =	sdelay $0xe  }
0x9b: {  	s18 =	spop (v2sf)  }
0x9c: {  	s19 =	sand.u32 $0xF, s18  }
0x9d: {  	s20 =	sshra.s32 s18, $0x1F;
	p1 =	slt.s32 s18, $0x1;
	p2 =	sne.s32 s19, $0x0  }
0x9e: {  	s29 =	sshrl.u32 s20, $0x1C;
	p1 =	por !p1, !p2  }
0x9f: {  	[tilespmem:v25+s13+$0x0] =	vst.idx.msk vm1, v13;
	v61 =	vadd.s32 $0xFFFFFFFF, v29;
	v62 =	vadd.s32 v28, v30;
	s19 =	simm.s32 $0x1;
	s18 =	sadd.s32 s29, s18;
	p1 =	por !p1, !p1  }
0xa0: {  	[tilespmem:v23+s13+$0x0] =	vst.idx.msk vm2, v11;
	v63 =	vadd.s32 $0xFFFFFFFF, v62;
	s18 =	sshra.s32 s18, $0x4;
	s19 =	simm.s32 @!p1 $0x0  }
0xa1: {  	[tilespmem:v24+s13+$0x0] =	vst.idx.msk vm3, v9;
	s19 =	ssub.s32 s18, s19  }
0xa2: {  	[tilespmem:v26+s13+$0x0] =	vst.idx.msk vm4, v8;
	s18 =	sadd.s32 $0x3F, s19  }
0xa3: {  	[tilespmem:v27+s13+$0x0] =	vst.idx.msk vm5, v7;
	s30 =	sand.u32 $0x3F, s18  }
0xa4: {  	[tilespmem:v61+s13+$0x0] =	vst.idx.msk vm6, v10;
	p6 =	slt.s32 s19, $0xFFFFFFC2;
	s31 =	sshra.s32 s18, $0x1F;
	p5 =	sne.s32 s30, $0x0  }
.Ltmp5:
0xa5: {  	[tilespmem:v63+s13+$0x0] =	vst.idx.msk vm7, v6;
	v6 =	vadd.s32 $0x1, v12;
	s20 =	sshrl.u32 s31, $0x1A;
	p1 =	por !p6, !p5;
	(pc) =	sbr.rel .LBB2_5-.Ltmp5, $4  }
0xa6: {  	v6 =	vbroadcast v6, $0xF;
	[tilespmem:s19+$0x5080] =	vst v2;
	s18 =	sadd.s32 s20, s18;
	s20 =	simm.s32 $0x1;
	p1 =	por !p1, !p1  }
0xa7: {  	v7 =	vadd.s32 $0x1, v5;
	[tilespmem:s19+$0x5090] =	vst v2;
	s18 =	sshra.s32 s18, $0x6;
	s20 =	simm.s32 @!p1 $0x0  }
0xa8: {  	vm1 =	vgt.s32 v6, v7;
	[tilespmem:s19+$0x50A0] =	vst v2;
	s18 =	ssub.s32 s18, s20  }
0xa9: {  	v6 =	vsel vm1, v6, v7;
	[tilespmem:s19+$0x50B0] =	vst v2;
	s19 =	simm.s32 $0x0;
	p1 =	slt.s32 s18, $0x1  }
.LBB2_8:
0xaa: {  	v12 =	vmpcnt.ones.xlane vm1;
	vm1 =	vge.s32 v8, v7  }
0xab: {  	v8 =	vmpcnt.ones.xlane vm1;
	vm1 =	vge.s32 v9, v7  }
0xac: {  	v61 =	vadd.s32 v11, v12;
	v62 =	vmpcnt.ones.xlane vm1;
	vm1 =	vge.s32 v10, v7  }
0xad: {  	v8 =	vadd.s32 v8, v61;
	v63 =	vmpcnt.ones.xlane vm1  }
0xae: {  	v8 =	vadd.s32 v62, v8  }
0xaf: {  	v8 =	vadd.s32 v63, v8  }
0xb0: {  	vm1 =	vgt.s32 v8, $0x3F  }
.LBB2_9:
0xb1: {  	s19 =	sadd.s32 $0x1, s19  }
0xb2: {  	p2 =	sne.s32 s19, $0x1F  }
.Ltmp6:
0xb3: {  	_ = 	snop;
	(pc) =	sbr.rel @!p2 .LBB2_10-.Ltmp6, $2  }
0xb4: {  	_ =	sdelay $0x2  }
0xb5: {  	v5 =	vsel vm1, v7, v5;
	v6 =	vsel vm1, v6, v7  }
.LBB2_5:
.Ltmp7:
0xb6: {  	(pc) =	sbr.rel @p1 .LBB2_9-.Ltmp7, $4  }
0xb7: {  	_ = 	snop  }
0xb8: {  	v7 =	vsub.s32 v6, v5  }
0xb9: {  	v7 =	vshrl.u32 v7, $0x1  }
0xba: {  	vm1 =	vmmov vm0;
	v7 =	vadd.s32 v5, v7  }
0xbb: {  	s21 =	simm.s32 $0x50A0  }
0xbc: {  	p2 =	sne.s32 s18, $0x1;
	v12 =	vld [tilespmem:s21+$0xFFFFFFE0]  }
.Ltmp8:
0xbd: {  	v8 =	vld [tilespmem:s21+$0xFFFFFFF0];
	(pc) =	sbr.rel @!p2 .LBB2_8-.Ltmp8, $3  }
0xbe: {  	v9 =	vld [tilespmem:s21+$0x0]  }
0xbf: {  	v10 =	vld [tilespmem:s21+$0x10];
	_ =	sdelay $0x1  }
0xc0: {  	v11 =	vimm.s32 $0x0;
	s20 =	sadd.s32 $0xFFFFFFFF, s18;
	s21 =	simm.s32 $0x50E0;
	vm1 =	vge.s32 v12, v7  }
.LBB2_7:
0xc1: {  	v12 =	vld [tilespmem:s21+$0xFFFFFFE0];
	p2 =	sne.s32 s20, $0x1;
	s20 =	sadd.s32 $0xFFFFFFFF, s20;
	v13 =	vmpcnt.ones.xlane vm1;
	vm1 =	vge.s32 v8, v7  }
.Ltmp9:
0xc2: {  	v8 =	vld [tilespmem:s21+$0xFFFFFFF0];
	v14 =	vmpcnt.ones.xlane vm1;
	vm1 =	vge.s32 v9, v7;
	(pc) =	sbr.rel @p2 .LBB2_7-.Ltmp9, $4  }
0xc3: {  	v9 =	vld [tilespmem:s21+$0x0];
	v11 =	vadd.s32 v11, v13;
	v13 =	vmpcnt.ones.xlane vm1;
	vm1 =	vge.s32 v10, v7  }
0xc4: {  	v10 =	vld [tilespmem:s21+$0x10];
	v11 =	vadd.s32 v14, v11;
	v14 =	vmpcnt.ones.xlane vm1  }
0xc5: {  	v11 =	vadd.s32 v13, v11  }
0xc6: {  	s21 =	sadd.s32 $0x40, s21;
	vm1 =	vge.s32 v12, v7;
	v11 =	vadd.s32 v14, v11  }
.Ltmp10:
0xc7: {  	_ = 	snop;
	(pc) =	sbr.rel .LBB2_8-.Ltmp10, $1  }
0xc8: {  	_ =	sdelay $0x3  }
.LBB2_12:
0xc9: {  	_ =	sfence.sel $0x180000  }
0xca: {  	[bflag:$0x0] =	sbarrier.arrive $0xFFFF  }
0xcb: {  	p0 =	sne.s32 s1, $0x0;
	_ =	strace $0x9000004A  }
0xcc: {  	s0 =	sadd.s32 @!p0 $0x100000, s0;
	[bflag:$0x2] =	sbarrier.arrive $0xFFFF  }
0xcd: {  	[sflag:s0] =	ssyncadd.tile.s32 @!p0 $0x1;
	_ =	shalt  }
.Lfunc_end2:
_tile_overlayer_lowered:
.L_overlay_start_2:
0xce: {  	(tag) =	ssettag $0x2  }
0xcf: {  	s0 =	rddreg [dreg:$0x0];
	s2 =	stileid.u32  }
0xd0: {  	s1 =	rddreg [dreg:$0x1];
	p0 =	sne.s32 s2, $0x0  }
0xd1: {  	s3 =	rddreg [dreg:$0x2];
	[bflag:$0x3] =	sbarrier.arrive $0xFFFF;
	s2 =	simm.s32 @!p0 $0x1C02  }
0xd2: {  	[timem:s3], [sflag:s2] =	dma.local @!p0 [hbm:s0], s1  }
0xd3: {  	s0 =	simm.s32 @!p0 $0x2  }
0xd4: {  	_ =	swait.ge @!p0 [sflag:s0], s1  }
0xd5: {  	s1 =	ssub.s32 @!p0 $0x0, s1;
	[sflag:s0] =	ssyncset.done @!p0 $0x0  }
0xd6: {  	[sflag:s0] =	ssyncadd.s32 @!p0 s1  }
0xd7: {  	[bflag:$0x3] =	sbarrier.arrive $0xFFFF  }
0xd8: {  	_ =	shalt  }

</sc_bundles>
